<compile_context>
chip_gen: v7x
topology: tpu7x:2x2x1
jax: 0.10.2.dev20260603
libtpu: 0.0.44.dev20260713+nightly
codegen_flags: <defaults>
</compile_context>

<pallas_src>
import functools

import jax
import jax.numpy as jnp
from jax import lax
from jax.experimental import pallas as pl
from jax.experimental.pallas import tpu as pltpu
from jax.experimental.pallas import tpu_sc as plsc

B = 8
M = 1024
N = 4096
C = 128
K = 32
CO = C + 3
R2 = 0.12 * 0.12
NLANES = 16
MCHUNK = 256
NWORK_PER_B = M // MCHUNK

_mesh = plsc.VectorSubcoreMesh(core_axis_name="c", subcore_axis_name="s")
_params = pltpu.CompilerParams(needs_layout_passes=False)


@functools.partial(
    pl.kernel,
    out_type=jax.ShapeDtypeStruct((B * M * K,), jnp.int32),
    mesh=_mesh,
    compiler_params=_params,
    scratch_types=[
        pltpu.VMEM((3 * N,), jnp.float32),
        pltpu.VMEM((3 * M,), jnp.float32),
        pltpu.VMEM((M,), jnp.float32),
        pltpu.VMEM((N,), jnp.float32),
        pltpu.VMEM((MCHUNK * K,), jnp.int32),
    ],
)
def _select_kernel(qb2_hbm, xb_hbm, nn2_hbm, xx2_hbm, idx_hbm,
                   xb_v, qb2_v, nn2_v, xx2_v, idx_s):
    cid = lax.axis_index("c")
    sid = lax.axis_index("s")
    wid = sid * 2 + cid
    b = wid // NWORK_PER_B
    mbase = (wid % NWORK_PER_B) * MCHUNK

    for c in range(3):
        pltpu.sync_copy(xb_hbm.at[pl.ds((b * 3 + c) * N, N)],
                        xb_v.at[pl.ds(c * N, N)])
        pltpu.sync_copy(qb2_hbm.at[pl.ds((b * 3 + c) * M, M)],
                        qb2_v.at[pl.ds(c * M, M)])
    pltpu.sync_copy(nn2_hbm.at[pl.ds(b * M, M)], nn2_v)
    pltpu.sync_copy(xx2_hbm.at[pl.ds(b * N, N)], xx2_v)

    iota = lax.iota(jnp.int32, NLANES)

    def select_one(m, carry0):
        mq = mbase + m
        bqx = plsc.load_gather(qb2_v, [jnp.full((NLANES,), mq, jnp.int32)])
        bqy = plsc.load_gather(qb2_v, [jnp.full((NLANES,), M + mq, jnp.int32)])
        bqz = plsc.load_gather(
            qb2_v, [jnp.full((NLANES,), 2 * M + mq, jnp.int32)])
        nnv = plsc.load_gather(nn2_v, [jnp.full((NLANES,), mq, jnp.int32)])

        def chunk_body(ci, carry):
            cnt, first = carry
            base = ci * NLANES
            x0 = xb_v[pl.ds(base, NLANES)]
            x1 = xb_v[pl.ds(N + base, NLANES)]
            x2 = xb_v[pl.ds(2 * N + base, NLANES)]
            xx = xx2_v[pl.ds(base, NLANES)]
            s = (bqx * x0 + bqy * x1) + bqz * x2
            dist = (nnv + xx) + s
            msk = dist < R2
            ranks = plsc.cumsum(msk.astype(jnp.int32))
            destrow = ranks + (cnt - 1)
            smask = msk & (destrow < K)
            dest = jnp.clip(destrow, 0, K - 1) + m * K
            plsc.store_scatter(idx_s, [dest], iota + base, mask=smask)
            pc = ranks[NLANES - 1]
            firstm = jnp.min(jnp.where(msk, iota + base, jnp.int32(N)))
            first = jnp.where((cnt == 0) & (pc > 0), firstm, first)
            return (cnt + pc, first)

        cnt, first = lax.fori_loop(0, N // NLANES, chunk_body,
                                   (jnp.int32(0), jnp.int32(0)), unroll=4)
        cntc = jnp.full((NLANES,), jnp.minimum(cnt, K), jnp.int32)
        fv = jnp.full((NLANES,), first, jnp.int32)
        for g in range(K // NLANES):
            lanes = iota + g * NLANES
            plsc.store_scatter(idx_s, [lanes + m * K], fv,
                               mask=lanes >= cntc)
        return carry0

    lax.fori_loop(0, MCHUNK, select_one, jnp.int32(0))
    pltpu.sync_copy(idx_s, idx_hbm.at[pl.ds(wid * MCHUNK * K, MCHUNK * K)])


@functools.partial(
    pl.kernel,
    out_type=jax.ShapeDtypeStruct((B * CO * M * K,), jnp.float32),
    mesh=_mesh,
    compiler_params=_params,
    scratch_types=[
        pltpu.VMEM((3 * N,), jnp.float32),
        pltpu.VMEM((3 * M,), jnp.float32),
        pltpu.VMEM((MCHUNK * K,), jnp.int32),
        pltpu.VMEM((N,), jnp.float32),
        pltpu.VMEM((MCHUNK * K,), jnp.float32),
    ],
)
def _group_kernel(newxyz_hbm, xyz_hbm, feat_hbm, idx_hbm, out_hbm,
                  xyz_v, q_v, idx_s, table, out_v):
    cid = lax.axis_index("c")
    sid = lax.axis_index("s")
    wid = sid * 2 + cid
    b = wid // NWORK_PER_B
    mbase = (wid % NWORK_PER_B) * MCHUNK

    for c in range(3):
        pltpu.sync_copy(xyz_hbm.at[pl.ds((b * 3 + c) * N, N)],
                        xyz_v.at[pl.ds(c * N, N)])
        pltpu.sync_copy(newxyz_hbm.at[pl.ds((b * 3 + c) * M, M)],
                        q_v.at[pl.ds(c * M, M)])
    pltpu.sync_copy(idx_hbm.at[pl.ds(wid * MCHUNK * K, MCHUNK * K)], idx_s)

    iota = lax.iota(jnp.int32, NLANES)

    for c in range(3):
        def xyz_m_body(m, carry, c=c):
            qs = plsc.load_gather(
                q_v, [jnp.full((NLANES,), c * M + mbase + m, jnp.int32)])
            for g in range(K // NLANES):
                idxv = idx_s[pl.ds(m * K + g * NLANES, NLANES)]
                idxv = jnp.clip(idxv, 0, N - 1)
                gv = plsc.load_gather(xyz_v, [idxv + c * N])
                plsc.store_scatter(out_v, [iota + (m * K + g * NLANES)],
                                   gv - qs)
            return carry

        lax.fori_loop(0, MCHUNK, xyz_m_body, jnp.int32(0), unroll=2)
        pltpu.sync_copy(
            out_v,
            out_hbm.at[pl.ds((b * CO + c) * M * K + mbase * K, MCHUNK * K)])

    def chan_body(c2, carry):
        pltpu.sync_copy(feat_hbm.at[pl.ds((b * C + c2) * N, N)], table)

        def feat_m_body(m, carry2):
            for g in range(K // NLANES):
                idxv = idx_s[pl.ds(m * K + g * NLANES, NLANES)]
                idxv = jnp.clip(idxv, 0, N - 1)
                plsc.store_scatter(out_v, [iota + (m * K + g * NLANES)],
                                   plsc.load_gather(table, [idxv]))
            return carry2

        lax.fori_loop(0, MCHUNK, feat_m_body, jnp.int32(0), unroll=4)
        pltpu.sync_copy(
            out_v,
            out_hbm.at[pl.ds((b * CO + 3 + c2) * M * K + mbase * K,
                             MCHUNK * K)])
        return carry

    lax.fori_loop(0, C, chan_body, jnp.int32(0))


def kernel(new_xyz, xyz, feature):
    qb2 = -2.0 * lax.reduce_precision(new_xyz, exponent_bits=8,
                                      mantissa_bits=7)
    xb = lax.reduce_precision(xyz, exponent_bits=8, mantissa_bits=7)
    nn2 = jnp.sum(new_xyz * new_xyz, axis=1)
    xx2 = jnp.sum(xyz * xyz, axis=1)
    idx = _select_kernel(jnp.reshape(qb2, (-1,)), jnp.reshape(xb, (-1,)),
                         jnp.reshape(nn2, (-1,)), jnp.reshape(xx2, (-1,)))
    out = _group_kernel(jnp.reshape(new_xyz, (-1,)), jnp.reshape(xyz, (-1,)),
                        jnp.reshape(feature, (-1,)), idx)
    return jnp.reshape(out, (B, CO, M, K))

# --- scband reference (transcript-rebuilt; emitter-appended) ---
"""Pipeline reference for scband-query-grouper-1717986918814 (READ-ONLY COPY).

The authoritative reference and input builder live on the scoring server;
editing this copy changes nothing except your own understanding.
"""

import jax, jax.numpy as jnp
import numpy as np

RADIUS = 0.12
K = 32
USE_XYZ = True


def setup_inputs(seed: int = 0) -> dict:
    key = jax.random.key(seed)
    k1, k2, k3 = jax.random.split(key, 3)
    new_xyz = jax.random.uniform(k1, (8, 3, 1024), dtype=jnp.float32)
    xyz = jax.random.uniform(k2, (8, 3, 4096), dtype=jnp.float32)
    feature = jax.random.normal(k3, (8, 128, 4096), dtype=jnp.float32)
    return {"new_xyz": new_xyz, "xyz": xyz, "feature": feature}


def _ball_query(xyz, new_xyz, radius, k):
    # xyz: [B,3,N], new_xyz: [B,3,M] -> idx [B,M,K] (first-k-in-ball, padded with first hit, 0 if none)
    N = xyz.shape[2]
    nn2 = jnp.sum(new_xyz * new_xyz, axis=1)[:, :, None]  # [B,M,1]
    xx2 = jnp.sum(xyz * xyz, axis=1)[:, None, :]          # [B,1,N]
    cross = jnp.einsum('bdm,bdn->bmn', new_xyz, xyz)       # [B,M,N]
    dist2 = nn2 + xx2 - 2.0 * cross
    mask = dist2 < (radius * radius)
    keyv = jnp.where(mask, jnp.arange(N, dtype=jnp.int32)[None, None, :], jnp.int32(N))
    sorted_key = jnp.sort(keyv, axis=-1)[:, :, :k]
    valid = sorted_key < N
    first = sorted_key[:, :, 0:1]
    first = jnp.where(first < N, first, 0)
    idx = jnp.where(valid, sorted_key, first)
    return idx


def _group_points(points, idx):
    # points [B,C,N], idx [B,M,K] -> [B,C,M,K]
    return jax.vmap(lambda p, i: p[:, i])(points, idx)


def reference(new_xyz, xyz, feature):
    idx = _ball_query(xyz, new_xyz, RADIUS, K)
    grouped_xyz = _group_points(xyz, idx)                 # [B,3,M,K]
    grouped_xyz = grouped_xyz - new_xyz[:, :, :, None]
    group_feature = _group_points(feature, idx)           # [B,C,M,K]
    if USE_XYZ:
        new_feature = jnp.concatenate([grouped_xyz, group_feature], axis=1)
    else:
        new_feature = group_feature
    return new_feature

if __name__ == "__main__":
    import jax
    _d = setup_inputs()
    print(jax.jit(kernel)(*tuple(_d.values())))

</pallas_src>

<mosaic_0001>
#map = affine_map<(d0, d1) -> (0)>
module attributes {stable_mosaic.version = 14 : i64} {
  func.func @_group_kernel(%arg0: i32, %arg1: i32, %arg2: memref<24576xf32, #tpu.memory_space<hbm>>, %arg3: memref<98304xf32, #tpu.memory_space<hbm>>, %arg4: memref<4194304xf32, #tpu.memory_space<hbm>>, %arg5: memref<262144xi32, #tpu.memory_space<hbm>>, %arg6: memref<34340864xf32, #tpu.memory_space<hbm>>, %arg7: memref<12288xf32, #tpu.memory_space<vmem>>, %arg8: memref<3072xf32, #tpu.memory_space<vmem>>, %arg9: memref<8192xi32, #tpu.memory_space<vmem>>, %arg10: memref<4096xf32, #tpu.memory_space<vmem>>, %arg11: memref<8192xf32, #tpu.memory_space<vmem>>) attributes {dimension_semantics = [#tpu.dimension_semantics<core_parallel>, #tpu.dimension_semantics<subcore_parallel>], iteration_bounds = array<i64: 2, 16>, scalar_prefetch = 0 : i64, scratch_operands = 5 : i64, tpu.core_type = #tpu.core_type<sc_vector_subcore>, window_params = [{transform_indices = #map}, {transform_indices = #map}, {transform_indices = #map}, {transform_indices = #map}, {transform_indices = #map}]} {
    %mul3A = arith.constant 2 : i32
    %mul3A_0 = arith.muli %arg1, %mul3A : i32
    %add3A = arith.addi %mul3A_0, %arg0 : i32
    %jit3A = arith.constant 4 : i32
    %div3A = arith.divsi %add3A, %jit3A : i32
    %sign3A = arith.constant 0 : i32
    %sign3A_1 = arith.cmpi sgt, %add3A, %sign3A : i32
    %sign3A_2 = arith.extui %sign3A_1 : i1 to i32
    %sign3A_3 = arith.constant 0 : i32
    %sign3A_4 = arith.cmpi slt, %add3A, %sign3A_3 : i32
    %sign3A_5 = arith.extui %sign3A_4 : i1 to i32
    %sign3A_6 = arith.subi %sign3A_2, %sign3A_5 : i32
    %sign3A_7 = arith.constant 0 : i32
    %sign3A_8 = arith.cmpi sgt, %jit3A, %sign3A_7 : i32
    %sign3A_9 = arith.extui %sign3A_8 : i1 to i32
    %sign3A_10 = arith.constant 0 : i32
    %sign3A_11 = arith.cmpi slt, %jit3A, %sign3A_10 : i32
    %sign3A_12 = arith.extui %sign3A_11 : i1 to i32
    %sign3A_13 = arith.subi %sign3A_9, %sign3A_12 : i32
    %ne3A = arith.cmpi ne, %sign3A_6, %sign3A_13 : i32
    %rem3A = arith.remsi %add3A, %jit3A : i32
    %ne3A_14 = arith.constant 0 : i32
    %ne3A_15 = arith.cmpi ne, %rem3A, %ne3A_14 : i32
    %and3A = arith.andi %ne3A, %ne3A_15 : i1
    %sub3A = arith.constant 1 : i32
    %sub3A_16 = arith.subi %div3A, %sub3A : i32
    %select_n3A = arith.select %and3A, %sub3A_16, %div3A : i32
    %jit3A_17 = arith.constant 4 : i32
    %eq3A = arith.constant 0 : i32
    %eq3A_18 = arith.cmpi eq, %jit3A_17, %eq3A : i32
    %jit3A_19 = arith.constant 1 : i32
    %select_n3A_20 = arith.select %eq3A_18, %jit3A_19, %jit3A_17 : i32
    %rem3A_21 = arith.remsi %add3A, %select_n3A_20 : i32
    %ne3A_22 = arith.constant 0 : i32
    %ne3A_23 = arith.cmpi ne, %rem3A_21, %ne3A_22 : i32
    %lt3A = arith.constant 0 : i32
    %lt3A_24 = arith.cmpi slt, %rem3A_21, %lt3A : i32
    %lt3A_25 = arith.constant 0 : i32
    %lt3A_26 = arith.cmpi slt, %select_n3A_20, %lt3A_25 : i32
    %ne3A_27 = arith.xori %lt3A_24, %lt3A_26 : i1
    %and3A_28 = arith.andi %ne3A_27, %ne3A_23 : i1
    %add3A_29 = arith.addi %rem3A_21, %select_n3A_20 : i32
    %select_n3A_30 = arith.select %and3A_28, %add3A_29, %rem3A_21 : i32
    %mul3A_31 = arith.constant 256 : i32
    %mul3A_32 = arith.muli %select_n3A_30, %mul3A_31 : i32
    %mul3A_33 = arith.constant 3 : i32
    %mul3A_34 = arith.muli %select_n3A, %mul3A_33 : i32
    %add3A_35 = arith.constant 0 : i32
    %add3A_36 = arith.addi %mul3A_34, %add3A_35 : i32
    %mul3A_37 = arith.constant 4096 : i32
    %mul3A_38 = arith.muli %add3A_36, %mul3A_37 : i32
    "tpu.region"() ({
      %run_scoped3A = tpu.sem_alloc : memref<!tpu.dma_semaphore, #tpu.memory_space<semaphore_mem>>
      %dma_start3A = arith.constant 0 : i32
      %dma_start3A_129 = tpu.memref_slice %arg7[%dma_start3A] : memref<12288xf32, #tpu.memory_space<vmem>> -> memref<4096xf32, #tpu.memory_space<vmem>>
      %dma_start3A_130 = tpu.memref_slice %arg3[%mul3A_38] : memref<98304xf32, #tpu.memory_space<hbm>> -> memref<4096xf32, #tpu.memory_space<hbm>>
      %dma_start3A_131 = arith.constant 0 : i32
      %dma_start3A_132 = tpu.memref_slice %arg7[%dma_start3A_131] : memref<12288xf32, #tpu.memory_space<vmem>> -> memref<4096xf32, #tpu.memory_space<vmem>>
      %dma_start3A_133 = tpu.memref_slice %arg3[%mul3A_38] : memref<98304xf32, #tpu.memory_space<hbm>> -> memref<4096xf32, #tpu.memory_space<hbm>>
      tpu.enqueue_dma source(%dma_start3A_133 : memref<4096xf32, #tpu.memory_space<hbm>>) target(%dma_start3A_132 : memref<4096xf32, #tpu.memory_space<vmem>>) target_semaphore(%run_scoped3A : memref<!tpu.dma_semaphore, #tpu.memory_space<semaphore_mem>>)
      %dma_wait3A = arith.constant 0 : i32
      %dma_wait3A_134 = tpu.memref_slice %arg7[%dma_wait3A] : memref<12288xf32, #tpu.memory_space<vmem>> -> memref<4096xf32, #tpu.memory_space<vmem>>
      %dma_wait3A_135 = tpu.memref_slice %arg3[%mul3A_38] : memref<98304xf32, #tpu.memory_space<hbm>> -> memref<4096xf32, #tpu.memory_space<hbm>>
      %dma_wait3A_136 = arith.constant 0 : i32
      %dma_wait3A_137 = tpu.memref_slice %arg7[%dma_wait3A_136] : memref<12288xf32, #tpu.memory_space<vmem>> -> memref<4096xf32, #tpu.memory_space<vmem>>
      %dma_wait3A_138 = tpu.memref_slice %arg3[%mul3A_38] : memref<98304xf32, #tpu.memory_space<hbm>> -> memref<4096xf32, #tpu.memory_space<hbm>>
      tpu.wait_dma2 semaphore(%run_scoped3A : memref<!tpu.dma_semaphore, #tpu.memory_space<semaphore_mem>>) src(%dma_wait3A_138 : memref<4096xf32, #tpu.memory_space<hbm>>) dst(%dma_wait3A_137 : memref<4096xf32, #tpu.memory_space<vmem>>)
      tpu.yield
    }) : () -> ()
    %mul3A_39 = arith.constant 3 : i32
    %mul3A_40 = arith.muli %select_n3A, %mul3A_39 : i32
    %add3A_41 = arith.constant 0 : i32
    %add3A_42 = arith.addi %mul3A_40, %add3A_41 : i32
    %mul3A_43 = arith.constant 1024 : i32
    %mul3A_44 = arith.muli %add3A_42, %mul3A_43 : i32
    "tpu.region"() ({
      %run_scoped3A = tpu.sem_alloc : memref<!tpu.dma_semaphore, #tpu.memory_space<semaphore_mem>>
      %dma_start3A = arith.constant 0 : i32
      %dma_start3A_129 = tpu.memref_slice %arg8[%dma_start3A] : memref<3072xf32, #tpu.memory_space<vmem>> -> memref<1024xf32, #tpu.memory_space<vmem>>
      %dma_start3A_130 = tpu.memref_slice %arg2[%mul3A_44] : memref<24576xf32, #tpu.memory_space<hbm>> -> memref<1024xf32, #tpu.memory_space<hbm>>
      %dma_start3A_131 = arith.constant 0 : i32
      %dma_start3A_132 = tpu.memref_slice %arg8[%dma_start3A_131] : memref<3072xf32, #tpu.memory_space<vmem>> -> memref<1024xf32, #tpu.memory_space<vmem>>
      %dma_start3A_133 = tpu.memref_slice %arg2[%mul3A_44] : memref<24576xf32, #tpu.memory_space<hbm>> -> memref<1024xf32, #tpu.memory_space<hbm>>
      tpu.enqueue_dma source(%dma_start3A_133 : memref<1024xf32, #tpu.memory_space<hbm>>) target(%dma_start3A_132 : memref<1024xf32, #tpu.memory_space<vmem>>) target_semaphore(%run_scoped3A : memref<!tpu.dma_semaphore, #tpu.memory_space<semaphore_mem>>)
      %dma_wait3A = arith.constant 0 : i32
      %dma_wait3A_134 = tpu.memref_slice %arg8[%dma_wait3A] : memref<3072xf32, #tpu.memory_space<vmem>> -> memref<1024xf32, #tpu.memory_space<vmem>>
      %dma_wait3A_135 = tpu.memref_slice %arg2[%mul3A_44] : memref<24576xf32, #tpu.memory_space<hbm>> -> memref<1024xf32, #tpu.memory_space<hbm>>
      %dma_wait3A_136 = arith.constant 0 : i32
      %dma_wait3A_137 = tpu.memref_slice %arg8[%dma_wait3A_136] : memref<3072xf32, #tpu.memory_space<vmem>> -> memref<1024xf32, #tpu.memory_space<vmem>>
      %dma_wait3A_138 = tpu.memref_slice %arg2[%mul3A_44] : memref<24576xf32, #tpu.memory_space<hbm>> -> memref<1024xf32, #tpu.memory_space<hbm>>
      tpu.wait_dma2 semaphore(%run_scoped3A : memref<!tpu.dma_semaphore, #tpu.memory_space<semaphore_mem>>) src(%dma_wait3A_138 : memref<1024xf32, #tpu.memory_space<hbm>>) dst(%dma_wait3A_137 : memref<1024xf32, #tpu.memory_space<vmem>>)
      tpu.yield
    }) : () -> ()
    %mul3A_45 = arith.constant 3 : i32
    %mul3A_46 = arith.muli %select_n3A, %mul3A_45 : i32
    %add3A_47 = arith.constant 1 : i32
    %add3A_48 = arith.addi %mul3A_46, %add3A_47 : i32
    %mul3A_49 = arith.constant 4096 : i32
    %mul3A_50 = arith.muli %add3A_48, %mul3A_49 : i32
    "tpu.region"() ({
      %run_scoped3A = tpu.sem_alloc : memref<!tpu.dma_semaphore, #tpu.memory_space<semaphore_mem>>
      %dma_start3A = arith.constant 4096 : i32
      %dma_start3A_129 = tpu.memref_slice %arg7[%dma_start3A] : memref<12288xf32, #tpu.memory_space<vmem>> -> memref<4096xf32, #tpu.memory_space<vmem>>
      %dma_start3A_130 = tpu.memref_slice %arg3[%mul3A_50] : memref<98304xf32, #tpu.memory_space<hbm>> -> memref<4096xf32, #tpu.memory_space<hbm>>
      %dma_start3A_131 = arith.constant 4096 : i32
      %dma_start3A_132 = tpu.memref_slice %arg7[%dma_start3A_131] : memref<12288xf32, #tpu.memory_space<vmem>> -> memref<4096xf32, #tpu.memory_space<vmem>>
      %dma_start3A_133 = tpu.memref_slice %arg3[%mul3A_50] : memref<98304xf32, #tpu.memory_space<hbm>> -> memref<4096xf32, #tpu.memory_space<hbm>>
      tpu.enqueue_dma source(%dma_start3A_133 : memref<4096xf32, #tpu.memory_space<hbm>>) target(%dma_start3A_132 : memref<4096xf32, #tpu.memory_space<vmem>>) target_semaphore(%run_scoped3A : memref<!tpu.dma_semaphore, #tpu.memory_space<semaphore_mem>>)
      %dma_wait3A = arith.constant 4096 : i32
      %dma_wait3A_134 = tpu.memref_slice %arg7[%dma_wait3A] : memref<12288xf32, #tpu.memory_space<vmem>> -> memref<4096xf32, #tpu.memory_space<vmem>>
      %dma_wait3A_135 = tpu.memref_slice %arg3[%mul3A_50] : memref<98304xf32, #tpu.memory_space<hbm>> -> memref<4096xf32, #tpu.memory_space<hbm>>
      %dma_wait3A_136 = arith.constant 4096 : i32
      %dma_wait3A_137 = tpu.memref_slice %arg7[%dma_wait3A_136] : memref<12288xf32, #tpu.memory_space<vmem>> -> memref<4096xf32, #tpu.memory_space<vmem>>
      %dma_wait3A_138 = tpu.memref_slice %arg3[%mul3A_50] : memref<98304xf32, #tpu.memory_space<hbm>> -> memref<4096xf32, #tpu.memory_space<hbm>>
      tpu.wait_dma2 semaphore(%run_scoped3A : memref<!tpu.dma_semaphore, #tpu.memory_space<semaphore_mem>>) src(%dma_wait3A_138 : memref<4096xf32, #tpu.memory_space<hbm>>) dst(%dma_wait3A_137 : memref<4096xf32, #tpu.memory_space<vmem>>)
      tpu.yield
    }) : () -> ()
    %mul3A_51 = arith.constant 3 : i32
    %mul3A_52 = arith.muli %select_n3A, %mul3A_51 : i32
    %add3A_53 = arith.constant 1 : i32
    %add3A_54 = arith.addi %mul3A_52, %add3A_53 : i32
    %mul3A_55 = arith.constant 1024 : i32
    %mul3A_56 = arith.muli %add3A_54, %mul3A_55 : i32
    "tpu.region"() ({
      %run_scoped3A = tpu.sem_alloc : memref<!tpu.dma_semaphore, #tpu.memory_space<semaphore_mem>>
      %dma_start3A = arith.constant 1024 : i32
      %dma_start3A_129 = tpu.memref_slice %arg8[%dma_start3A] : memref<3072xf32, #tpu.memory_space<vmem>> -> memref<1024xf32, #tpu.memory_space<vmem>>
      %dma_start3A_130 = tpu.memref_slice %arg2[%mul3A_56] : memref<24576xf32, #tpu.memory_space<hbm>> -> memref<1024xf32, #tpu.memory_space<hbm>>
      %dma_start3A_131 = arith.constant 1024 : i32
      %dma_start3A_132 = tpu.memref_slice %arg8[%dma_start3A_131] : memref<3072xf32, #tpu.memory_space<vmem>> -> memref<1024xf32, #tpu.memory_space<vmem>>
      %dma_start3A_133 = tpu.memref_slice %arg2[%mul3A_56] : memref<24576xf32, #tpu.memory_space<hbm>> -> memref<1024xf32, #tpu.memory_space<hbm>>
      tpu.enqueue_dma source(%dma_start3A_133 : memref<1024xf32, #tpu.memory_space<hbm>>) target(%dma_start3A_132 : memref<1024xf32, #tpu.memory_space<vmem>>) target_semaphore(%run_scoped3A : memref<!tpu.dma_semaphore, #tpu.memory_space<semaphore_mem>>)
      %dma_wait3A = arith.constant 1024 : i32
      %dma_wait3A_134 = tpu.memref_slice %arg8[%dma_wait3A] : memref<3072xf32, #tpu.memory_space<vmem>> -> memref<1024xf32, #tpu.memory_space<vmem>>
      %dma_wait3A_135 = tpu.memref_slice %arg2[%mul3A_56] : memref<24576xf32, #tpu.memory_space<hbm>> -> memref<1024xf32, #tpu.memory_space<hbm>>
      %dma_wait3A_136 = arith.constant 1024 : i32
      %dma_wait3A_137 = tpu.memref_slice %arg8[%dma_wait3A_136] : memref<3072xf32, #tpu.memory_space<vmem>> -> memref<1024xf32, #tpu.memory_space<vmem>>
      %dma_wait3A_138 = tpu.memref_slice %arg2[%mul3A_56] : memref<24576xf32, #tpu.memory_space<hbm>> -> memref<1024xf32, #tpu.memory_space<hbm>>
      tpu.wait_dma2 semaphore(%run_scoped3A : memref<!tpu.dma_semaphore, #tpu.memory_space<semaphore_mem>>) src(%dma_wait3A_138 : memref<1024xf32, #tpu.memory_space<hbm>>) dst(%dma_wait3A_137 : memref<1024xf32, #tpu.memory_space<vmem>>)
      tpu.yield
    }) : () -> ()
    %mul3A_57 = arith.constant 3 : i32
    %mul3A_58 = arith.muli %select_n3A, %mul3A_57 : i32
    %add3A_59 = arith.constant 2 : i32
    %add3A_60 = arith.addi %mul3A_58, %add3A_59 : i32
    %mul3A_61 = arith.constant 4096 : i32
    %mul3A_62 = arith.muli %add3A_60, %mul3A_61 : i32
    "tpu.region"() ({
      %run_scoped3A = tpu.sem_alloc : memref<!tpu.dma_semaphore, #tpu.memory_space<semaphore_mem>>
      %dma_start3A = arith.constant 8192 : i32
      %dma_start3A_129 = tpu.memref_slice %arg7[%dma_start3A] : memref<12288xf32, #tpu.memory_space<vmem>> -> memref<4096xf32, #tpu.memory_space<vmem>>
      %dma_start3A_130 = tpu.memref_slice %arg3[%mul3A_62] : memref<98304xf32, #tpu.memory_space<hbm>> -> memref<4096xf32, #tpu.memory_space<hbm>>
      %dma_start3A_131 = arith.constant 8192 : i32
      %dma_start3A_132 = tpu.memref_slice %arg7[%dma_start3A_131] : memref<12288xf32, #tpu.memory_space<vmem>> -> memref<4096xf32, #tpu.memory_space<vmem>>
      %dma_start3A_133 = tpu.memref_slice %arg3[%mul3A_62] : memref<98304xf32, #tpu.memory_space<hbm>> -> memref<4096xf32, #tpu.memory_space<hbm>>
      tpu.enqueue_dma source(%dma_start3A_133 : memref<4096xf32, #tpu.memory_space<hbm>>) target(%dma_start3A_132 : memref<4096xf32, #tpu.memory_space<vmem>>) target_semaphore(%run_scoped3A : memref<!tpu.dma_semaphore, #tpu.memory_space<semaphore_mem>>)
      %dma_wait3A = arith.constant 8192 : i32
      %dma_wait3A_134 = tpu.memref_slice %arg7[%dma_wait3A] : memref<12288xf32, #tpu.memory_space<vmem>> -> memref<4096xf32, #tpu.memory_space<vmem>>
      %dma_wait3A_135 = tpu.memref_slice %arg3[%mul3A_62] : memref<98304xf32, #tpu.memory_space<hbm>> -> memref<4096xf32, #tpu.memory_space<hbm>>
      %dma_wait3A_136 = arith.constant 8192 : i32
      %dma_wait3A_137 = tpu.memref_slice %arg7[%dma_wait3A_136] : memref<12288xf32, #tpu.memory_space<vmem>> -> memref<4096xf32, #tpu.memory_space<vmem>>
      %dma_wait3A_138 = tpu.memref_slice %arg3[%mul3A_62] : memref<98304xf32, #tpu.memory_space<hbm>> -> memref<4096xf32, #tpu.memory_space<hbm>>
      tpu.wait_dma2 semaphore(%run_scoped3A : memref<!tpu.dma_semaphore, #tpu.memory_space<semaphore_mem>>) src(%dma_wait3A_138 : memref<4096xf32, #tpu.memory_space<hbm>>) dst(%dma_wait3A_137 : memref<4096xf32, #tpu.memory_space<vmem>>)
      tpu.yield
    }) : () -> ()
    %mul3A_63 = arith.constant 3 : i32
    %mul3A_64 = arith.muli %select_n3A, %mul3A_63 : i32
    %add3A_65 = arith.constant 2 : i32
    %add3A_66 = arith.addi %mul3A_64, %add3A_65 : i32
    %mul3A_67 = arith.constant 1024 : i32
    %mul3A_68 = arith.muli %add3A_66, %mul3A_67 : i32
    "tpu.region"() ({
      %run_scoped3A = tpu.sem_alloc : memref<!tpu.dma_semaphore, #tpu.memory_space<semaphore_mem>>
      %dma_start3A = arith.constant 2048 : i32
      %dma_start3A_129 = tpu.memref_slice %arg8[%dma_start3A] : memref<3072xf32, #tpu.memory_space<vmem>> -> memref<1024xf32, #tpu.memory_space<vmem>>
      %dma_start3A_130 = tpu.memref_slice %arg2[%mul3A_68] : memref<24576xf32, #tpu.memory_space<hbm>> -> memref<1024xf32, #tpu.memory_space<hbm>>
      %dma_start3A_131 = arith.constant 2048 : i32
      %dma_start3A_132 = tpu.memref_slice %arg8[%dma_start3A_131] : memref<3072xf32, #tpu.memory_space<vmem>> -> memref<1024xf32, #tpu.memory_space<vmem>>
      %dma_start3A_133 = tpu.memref_slice %arg2[%mul3A_68] : memref<24576xf32, #tpu.memory_space<hbm>> -> memref<1024xf32, #tpu.memory_space<hbm>>
      tpu.enqueue_dma source(%dma_start3A_133 : memref<1024xf32, #tpu.memory_space<hbm>>) target(%dma_start3A_132 : memref<1024xf32, #tpu.memory_space<vmem>>) target_semaphore(%run_scoped3A : memref<!tpu.dma_semaphore, #tpu.memory_space<semaphore_mem>>)
      %dma_wait3A = arith.constant 2048 : i32
      %dma_wait3A_134 = tpu.memref_slice %arg8[%dma_wait3A] : memref<3072xf32, #tpu.memory_space<vmem>> -> memref<1024xf32, #tpu.memory_space<vmem>>
      %dma_wait3A_135 = tpu.memref_slice %arg2[%mul3A_68] : memref<24576xf32, #tpu.memory_space<hbm>> -> memref<1024xf32, #tpu.memory_space<hbm>>
      %dma_wait3A_136 = arith.constant 2048 : i32
      %dma_wait3A_137 = tpu.memref_slice %arg8[%dma_wait3A_136] : memref<3072xf32, #tpu.memory_space<vmem>> -> memref<1024xf32, #tpu.memory_space<vmem>>
      %dma_wait3A_138 = tpu.memref_slice %arg2[%mul3A_68] : memref<24576xf32, #tpu.memory_space<hbm>> -> memref<1024xf32, #tpu.memory_space<hbm>>
      tpu.wait_dma2 semaphore(%run_scoped3A : memref<!tpu.dma_semaphore, #tpu.memory_space<semaphore_mem>>) src(%dma_wait3A_138 : memref<1024xf32, #tpu.memory_space<hbm>>) dst(%dma_wait3A_137 : memref<1024xf32, #tpu.memory_space<vmem>>)
      tpu.yield
    }) : () -> ()
    %mul3A_69 = arith.constant 256 : i32
    %mul3A_70 = arith.muli %add3A, %mul3A_69 : i32
    %mul3A_71 = arith.constant 32 : i32
    %mul3A_72 = arith.muli %mul3A_70, %mul3A_71 : i32
    "tpu.region"() ({
      %run_scoped3A = tpu.sem_alloc : memref<!tpu.dma_semaphore, #tpu.memory_space<semaphore_mem>>
      %dma_start3A = tpu.memref_slice %arg5[%mul3A_72] : memref<262144xi32, #tpu.memory_space<hbm>> -> memref<8192xi32, #tpu.memory_space<hbm>>
      %dma_start3A_129 = tpu.memref_slice %arg5[%mul3A_72] : memref<262144xi32, #tpu.memory_space<hbm>> -> memref<8192xi32, #tpu.memory_space<hbm>>
      tpu.enqueue_dma source(%dma_start3A_129 : memref<8192xi32, #tpu.memory_space<hbm>>) target(%arg9 : memref<8192xi32, #tpu.memory_space<vmem>>) target_semaphore(%run_scoped3A : memref<!tpu.dma_semaphore, #tpu.memory_space<semaphore_mem>>)
      %dma_wait3A = tpu.memref_slice %arg5[%mul3A_72] : memref<262144xi32, #tpu.memory_space<hbm>> -> memref<8192xi32, #tpu.memory_space<hbm>>
      %dma_wait3A_130 = tpu.memref_slice %arg5[%mul3A_72] : memref<262144xi32, #tpu.memory_space<hbm>> -> memref<8192xi32, #tpu.memory_space<hbm>>
      tpu.wait_dma2 semaphore(%run_scoped3A : memref<!tpu.dma_semaphore, #tpu.memory_space<semaphore_mem>>) src(%dma_wait3A_130 : memref<8192xi32, #tpu.memory_space<hbm>>) dst(%arg9 : memref<8192xi32, #tpu.memory_space<vmem>>)
      tpu.yield
    }) : () -> ()
    %iota3A = tpu.iota {dimensions = array<i32: 0>} : vector<16xi32>
    %scan3A = arith.constant 0 : i32
    %scan3A_73 = arith.constant 0 : i32
    %scan3A_74 = arith.constant 256 : i32
    %scan3A_75 = arith.addi %scan3A_73, %scan3A_74 : i32
    %scan3A_76 = arith.constant 2 : i32
    scf.for %scan3A_129 = %scan3A_73 to %scan3A_75 step %scan3A_76  : i32 {
      %add3A_130 = arith.constant 0 : i32
      %add3A_131 = arith.addi %add3A_130, %mul3A_32 : i32
      %add3A_132 = arith.addi %add3A_131, %scan3A_129 : i32
      %broadcast_in_dim3A = vector.broadcast %add3A_132 : i32 to vector<16xi32>
      %gather3A = tpu.vector_load_idx %arg8[%broadcast_in_dim3A] : memref<3072xf32, #tpu.memory_space<vmem>>[vector<16xi32>], vector<16xf32>,
      %mul3A_133 = arith.constant 32 : i32
      %mul3A_134 = arith.muli %scan3A_129, %mul3A_133 : i32
      %add3A_135 = arith.constant 0 : i32
      %add3A_136 = arith.addi %mul3A_134, %add3A_135 : i32
      %get3A = arith.index_cast %add3A_136 : i32 to index
      %get3A_137 = tpu.vector_load %arg9[%get3A] {strides = array<i32>} : memref<8192xi32, #tpu.memory_space<vmem>>, vector<16xi32>,
      %jit3A_138 = arith.constant 0 : i32
      %jit3A_139 = arith.constant 4095 : i32
      %max3A = vector.broadcast %jit3A_138 : i32 to vector<16xi32>
      %max3A_140 = arith.maxsi %max3A, %get3A_137 : vector<16xi32>
      %min3A = vector.broadcast %jit3A_139 : i32 to vector<16xi32>
      %min3A_141 = arith.minsi %min3A, %max3A_140 : vector<16xi32>
      %add3A_142 = arith.constant 0 : i32
      %add3A_143 = vector.broadcast %add3A_142 : i32 to vector<16xi32>
      %add3A_144 = arith.addi %min3A_141, %add3A_143 : vector<16xi32>
      %gather3A_145 = tpu.vector_load_idx %arg7[%add3A_144] : memref<12288xf32, #tpu.memory_space<vmem>>[vector<16xi32>], vector<16xf32>,
      %mul3A_146 = arith.constant 32 : i32
      %mul3A_147 = arith.muli %scan3A_129, %mul3A_146 : i32
      %add3A_148 = arith.constant 0 : i32
      %add3A_149 = arith.addi %mul3A_147, %add3A_148 : i32
      %add3A_150 = vector.broadcast %add3A_149 : i32 to vector<16xi32>
      %add3A_151 = arith.addi %iota3A, %add3A_150 : vector<16xi32>
      %sub3A_152 = arith.subf %gather3A_145, %gather3A : vector<16xf32>
      tpu.vector_store_idx %arg11[%add3A_151], %sub3A_152 : memref<8192xf32, #tpu.memory_space<vmem>>[vector<16xi32>], vector<16xf32>,
      %mul3A_153 = arith.constant 32 : i32
      %mul3A_154 = arith.muli %scan3A_129, %mul3A_153 : i32
      %add3A_155 = arith.constant 16 : i32
      %add3A_156 = arith.addi %mul3A_154, %add3A_155 : i32
      %get3A_157 = arith.index_cast %add3A_156 : i32 to index
      %get3A_158 = tpu.vector_load %arg9[%get3A_157] {strides = array<i32>} : memref<8192xi32, #tpu.memory_space<vmem>>, vector<16xi32>,
      %jit3A_159 = arith.constant 0 : i32
      %jit3A_160 = arith.constant 4095 : i32
      %max3A_161 = vector.broadcast %jit3A_159 : i32 to vector<16xi32>
      %max3A_162 = arith.maxsi %max3A_161, %get3A_158 : vector<16xi32>
      %min3A_163 = vector.broadcast %jit3A_160 : i32 to vector<16xi32>
      %min3A_164 = arith.minsi %min3A_163, %max3A_162 : vector<16xi32>
      %add3A_165 = arith.constant 0 : i32
      %add3A_166 = vector.broadcast %add3A_165 : i32 to vector<16xi32>
      %add3A_167 = arith.addi %min3A_164, %add3A_166 : vector<16xi32>
      %gather3A_168 = tpu.vector_load_idx %arg7[%add3A_167] : memref<12288xf32, #tpu.memory_space<vmem>>[vector<16xi32>], vector<16xf32>,
      %mul3A_169 = arith.constant 32 : i32
      %mul3A_170 = arith.muli %scan3A_129, %mul3A_169 : i32
      %add3A_171 = arith.constant 16 : i32
      %add3A_172 = arith.addi %mul3A_170, %add3A_171 : i32
      %add3A_173 = vector.broadcast %add3A_172 : i32 to vector<16xi32>
      %add3A_174 = arith.addi %iota3A, %add3A_173 : vector<16xi32>
      %sub3A_175 = arith.subf %gather3A_168, %gather3A : vector<16xf32>
      tpu.vector_store_idx %arg11[%add3A_174], %sub3A_175 : memref<8192xf32, #tpu.memory_space<vmem>>[vector<16xi32>], vector<16xf32>,
      %scan3A_176 = arith.constant 1 : i32
      %scan3A_177 = arith.addi %scan3A_129, %scan3A_176 : i32
      %add3A_178 = arith.constant 0 : i32
      %add3A_179 = arith.addi %add3A_178, %mul3A_32 : i32
      %add3A_180 = arith.addi %add3A_179, %scan3A_177 : i32
      %broadcast_in_dim3A_181 = vector.broadcast %add3A_180 : i32 to vector<16xi32>
      %gather3A_182 = tpu.vector_load_idx %arg8[%broadcast_in_dim3A_181] : memref<3072xf32, #tpu.memory_space<vmem>>[vector<16xi32>], vector<16xf32>,
      %mul3A_183 = arith.constant 32 : i32
      %mul3A_184 = arith.muli %scan3A_177, %mul3A_183 : i32
      %add3A_185 = arith.constant 0 : i32
      %add3A_186 = arith.addi %mul3A_184, %add3A_185 : i32
      %get3A_187 = arith.index_cast %add3A_186 : i32 to index
      %get3A_188 = tpu.vector_load %arg9[%get3A_187] {strides = array<i32>} : memref<8192xi32, #tpu.memory_space<vmem>>, vector<16xi32>,
      %jit3A_189 = arith.constant 0 : i32
      %jit3A_190 = arith.constant 4095 : i32
      %max3A_191 = vector.broadcast %jit3A_189 : i32 to vector<16xi32>
      %max3A_192 = arith.maxsi %max3A_191, %get3A_188 : vector<16xi32>
      %min3A_193 = vector.broadcast %jit3A_190 : i32 to vector<16xi32>
      %min3A_194 = arith.minsi %min3A_193, %max3A_192 : vector<16xi32>
      %add3A_195 = arith.constant 0 : i32
      %add3A_196 = vector.broadcast %add3A_195 : i32 to vector<16xi32>
      %add3A_197 = arith.addi %min3A_194, %add3A_196 : vector<16xi32>
      %gather3A_198 = tpu.vector_load_idx %arg7[%add3A_197] : memref<12288xf32, #tpu.memory_space<vmem>>[vector<16xi32>], vector<16xf32>,
      %mul3A_199 = arith.constant 32 : i32
      %mul3A_200 = arith.muli %scan3A_177, %mul3A_199 : i32
      %add3A_201 = arith.constant 0 : i32
      %add3A_202 = arith.addi %mul3A_200, %add3A_201 : i32
      %add3A_203 = vector.broadcast %add3A_202 : i32 to vector<16xi32>
      %add3A_204 = arith.addi %iota3A, %add3A_203 : vector<16xi32>
      %sub3A_205 = arith.subf %gather3A_198, %gather3A_182 : vector<16xf32>
      tpu.vector_store_idx %arg11[%add3A_204], %sub3A_205 : memref<8192xf32, #tpu.memory_space<vmem>>[vector<16xi32>], vector<16xf32>,
      %mul3A_206 = arith.constant 32 : i32
      %mul3A_207 = arith.muli %scan3A_177, %mul3A_206 : i32
      %add3A_208 = arith.constant 16 : i32
      %add3A_209 = arith.addi %mul3A_207, %add3A_208 : i32
      %get3A_210 = arith.index_cast %add3A_209 : i32 to index
      %get3A_211 = tpu.vector_load %arg9[%get3A_210] {strides = array<i32>} : memref<8192xi32, #tpu.memory_space<vmem>>, vector<16xi32>,
      %jit3A_212 = arith.constant 0 : i32
      %jit3A_213 = arith.constant 4095 : i32
      %max3A_214 = vector.broadcast %jit3A_212 : i32 to vector<16xi32>
      %max3A_215 = arith.maxsi %max3A_214, %get3A_211 : vector<16xi32>
      %min3A_216 = vector.broadcast %jit3A_213 : i32 to vector<16xi32>
      %min3A_217 = arith.minsi %min3A_216, %max3A_215 : vector<16xi32>
      %add3A_218 = arith.constant 0 : i32
      %add3A_219 = vector.broadcast %add3A_218 : i32 to vector<16xi32>
      %add3A_220 = arith.addi %min3A_217, %add3A_219 : vector<16xi32>
      %gather3A_221 = tpu.vector_load_idx %arg7[%add3A_220] : memref<12288xf32, #tpu.memory_space<vmem>>[vector<16xi32>], vector<16xf32>,
      %mul3A_222 = arith.constant 32 : i32
      %mul3A_223 = arith.muli %scan3A_177, %mul3A_222 : i32
      %add3A_224 = arith.constant 16 : i32
      %add3A_225 = arith.addi %mul3A_223, %add3A_224 : i32
      %add3A_226 = vector.broadcast %add3A_225 : i32 to vector<16xi32>
      %add3A_227 = arith.addi %iota3A, %add3A_226 : vector<16xi32>
      %sub3A_228 = arith.subf %gather3A_221, %gather3A_182 : vector<16xf32>
      tpu.vector_store_idx %arg11[%add3A_227], %sub3A_228 : memref<8192xf32, #tpu.memory_space<vmem>>[vector<16xi32>], vector<16xf32>,
    }
    %scan3A_77 = arith.constant 256 : i32
    %mul3A_78 = arith.constant 131 : i32
    %mul3A_79 = arith.muli %select_n3A, %mul3A_78 : i32
    %add3A_80 = arith.constant 0 : i32
    %add3A_81 = arith.addi %mul3A_79, %add3A_80 : i32
    %mul3A_82 = arith.constant 1024 : i32
    %mul3A_83 = arith.muli %add3A_81, %mul3A_82 : i32
    %mul3A_84 = arith.constant 32 : i32
    %mul3A_85 = arith.muli %mul3A_83, %mul3A_84 : i32
    %mul3A_86 = arith.constant 32 : i32
    %mul3A_87 = arith.muli %mul3A_32, %mul3A_86 : i32
    %add3A_88 = arith.addi %mul3A_85, %mul3A_87 : i32
    "tpu.region"() ({
      %run_scoped3A = tpu.sem_alloc : memref<!tpu.dma_semaphore, #tpu.memory_space<semaphore_mem>>
      %dma_start3A = tpu.memref_slice %arg6[%add3A_88] : memref<34340864xf32, #tpu.memory_space<hbm>> -> memref<8192xf32, #tpu.memory_space<hbm>>
      %dma_start3A_129 = tpu.memref_slice %arg6[%add3A_88] : memref<34340864xf32, #tpu.memory_space<hbm>> -> memref<8192xf32, #tpu.memory_space<hbm>>
      tpu.enqueue_dma source(%arg11 : memref<8192xf32, #tpu.memory_space<vmem>>) target(%dma_start3A_129 : memref<8192xf32, #tpu.memory_space<hbm>>) target_semaphore(%run_scoped3A : memref<!tpu.dma_semaphore, #tpu.memory_space<semaphore_mem>>)
      %dma_wait3A = tpu.memref_slice %arg6[%add3A_88] : memref<34340864xf32, #tpu.memory_space<hbm>> -> memref<8192xf32, #tpu.memory_space<hbm>>
      %dma_wait3A_130 = tpu.memref_slice %arg6[%add3A_88] : memref<34340864xf32, #tpu.memory_space<hbm>> -> memref<8192xf32, #tpu.memory_space<hbm>>
      tpu.wait_dma2 semaphore(%run_scoped3A : memref<!tpu.dma_semaphore, #tpu.memory_space<semaphore_mem>>) src(%arg11 : memref<8192xf32, #tpu.memory_space<vmem>>) dst(%dma_wait3A_130 : memref<8192xf32, #tpu.memory_space<hbm>>)
      tpu.yield
    }) : () -> ()
    %scan3A_89 = arith.constant 0 : i32
    %scan3A_90 = arith.constant 0 : i32
    %scan3A_91 = arith.constant 256 : i32
    %scan3A_92 = arith.addi %scan3A_90, %scan3A_91 : i32
    %scan3A_93 = arith.constant 2 : i32
    scf.for %scan3A_129 = %scan3A_90 to %scan3A_92 step %scan3A_93  : i32 {
      %add3A_130 = arith.constant 1024 : i32
      %add3A_131 = arith.addi %add3A_130, %mul3A_32 : i32
      %add3A_132 = arith.addi %add3A_131, %scan3A_129 : i32
      %broadcast_in_dim3A = vector.broadcast %add3A_132 : i32 to vector<16xi32>
      %gather3A = tpu.vector_load_idx %arg8[%broadcast_in_dim3A] : memref<3072xf32, #tpu.memory_space<vmem>>[vector<16xi32>], vector<16xf32>,
      %mul3A_133 = arith.constant 32 : i32
      %mul3A_134 = arith.muli %scan3A_129, %mul3A_133 : i32
      %add3A_135 = arith.constant 0 : i32
      %add3A_136 = arith.addi %mul3A_134, %add3A_135 : i32
      %get3A = arith.index_cast %add3A_136 : i32 to index
      %get3A_137 = tpu.vector_load %arg9[%get3A] {strides = array<i32>} : memref<8192xi32, #tpu.memory_space<vmem>>, vector<16xi32>,
      %jit3A_138 = arith.constant 0 : i32
      %jit3A_139 = arith.constant 4095 : i32
      %max3A = vector.broadcast %jit3A_138 : i32 to vector<16xi32>
      %max3A_140 = arith.maxsi %max3A, %get3A_137 : vector<16xi32>
      %min3A = vector.broadcast %jit3A_139 : i32 to vector<16xi32>
      %min3A_141 = arith.minsi %min3A, %max3A_140 : vector<16xi32>
      %add3A_142 = arith.constant 4096 : i32
      %add3A_143 = vector.broadcast %add3A_142 : i32 to vector<16xi32>
      %add3A_144 = arith.addi %min3A_141, %add3A_143 : vector<16xi32>
      %gather3A_145 = tpu.vector_load_idx %arg7[%add3A_144] : memref<12288xf32, #tpu.memory_space<vmem>>[vector<16xi32>], vector<16xf32>,
      %mul3A_146 = arith.constant 32 : i32
      %mul3A_147 = arith.muli %scan3A_129, %mul3A_146 : i32
      %add3A_148 = arith.constant 0 : i32
      %add3A_149 = arith.addi %mul3A_147, %add3A_148 : i32
      %add3A_150 = vector.broadcast %add3A_149 : i32 to vector<16xi32>
      %add3A_151 = arith.addi %iota3A, %add3A_150 : vector<16xi32>
      %sub3A_152 = arith.subf %gather3A_145, %gather3A : vector<16xf32>
      tpu.vector_store_idx %arg11[%add3A_151], %sub3A_152 : memref<8192xf32, #tpu.memory_space<vmem>>[vector<16xi32>], vector<16xf32>,
      %mul3A_153 = arith.constant 32 : i32
      %mul3A_154 = arith.muli %scan3A_129, %mul3A_153 : i32
      %add3A_155 = arith.constant 16 : i32
      %add3A_156 = arith.addi %mul3A_154, %add3A_155 : i32
      %get3A_157 = arith.index_cast %add3A_156 : i32 to index
      %get3A_158 = tpu.vector_load %arg9[%get3A_157] {strides = array<i32>} : memref<8192xi32, #tpu.memory_space<vmem>>, vector<16xi32>,
      %jit3A_159 = arith.constant 0 : i32
      %jit3A_160 = arith.constant 4095 : i32
      %max3A_161 = vector.broadcast %jit3A_159 : i32 to vector<16xi32>
      %max3A_162 = arith.maxsi %max3A_161, %get3A_158 : vector<16xi32>
      %min3A_163 = vector.broadcast %jit3A_160 : i32 to vector<16xi32>
      %min3A_164 = arith.minsi %min3A_163, %max3A_162 : vector<16xi32>
      %add3A_165 = arith.constant 4096 : i32
      %add3A_166 = vector.broadcast %add3A_165 : i32 to vector<16xi32>
      %add3A_167 = arith.addi %min3A_164, %add3A_166 : vector<16xi32>
      %gather3A_168 = tpu.vector_load_idx %arg7[%add3A_167] : memref<12288xf32, #tpu.memory_space<vmem>>[vector<16xi32>], vector<16xf32>,
      %mul3A_169 = arith.constant 32 : i32
      %mul3A_170 = arith.muli %scan3A_129, %mul3A_169 : i32
      %add3A_171 = arith.constant 16 : i32
      %add3A_172 = arith.addi %mul3A_170, %add3A_171 : i32
      %add3A_173 = vector.broadcast %add3A_172 : i32 to vector<16xi32>
      %add3A_174 = arith.addi %iota3A, %add3A_173 : vector<16xi32>
      %sub3A_175 = arith.subf %gather3A_168, %gather3A : vector<16xf32>
      tpu.vector_store_idx %arg11[%add3A_174], %sub3A_175 : memref<8192xf32, #tpu.memory_space<vmem>>[vector<16xi32>], vector<16xf32>,
      %scan3A_176 = arith.constant 1 : i32
      %scan3A_177 = arith.addi %scan3A_129, %scan3A_176 : i32
      %add3A_178 = arith.constant 1024 : i32
      %add3A_179 = arith.addi %add3A_178, %mul3A_32 : i32
      %add3A_180 = arith.addi %add3A_179, %scan3A_177 : i32
      %broadcast_in_dim3A_181 = vector.broadcast %add3A_180 : i32 to vector<16xi32>
      %gather3A_182 = tpu.vector_load_idx %arg8[%broadcast_in_dim3A_181] : memref<3072xf32, #tpu.memory_space<vmem>>[vector<16xi32>], vector<16xf32>,
      %mul3A_183 = arith.constant 32 : i32
      %mul3A_184 = arith.muli %scan3A_177, %mul3A_183 : i32
      %add3A_185 = arith.constant 0 : i32
      %add3A_186 = arith.addi %mul3A_184, %add3A_185 : i32
      %get3A_187 = arith.index_cast %add3A_186 : i32 to index
      %get3A_188 = tpu.vector_load %arg9[%get3A_187] {strides = array<i32>} : memref<8192xi32, #tpu.memory_space<vmem>>, vector<16xi32>,
      %jit3A_189 = arith.constant 0 : i32
      %jit3A_190 = arith.constant 4095 : i32
      %max3A_191 = vector.broadcast %jit3A_189 : i32 to vector<16xi32>
      %max3A_192 = arith.maxsi %max3A_191, %get3A_188 : vector<16xi32>
      %min3A_193 = vector.broadcast %jit3A_190 : i32 to vector<16xi32>
      %min3A_194 = arith.minsi %min3A_193, %max3A_192 : vector<16xi32>
      %add3A_195 = arith.constant 4096 : i32
      %add3A_196 = vector.broadcast %add3A_195 : i32 to vector<16xi32>
      %add3A_197 = arith.addi %min3A_194, %add3A_196 : vector<16xi32>
      %gather3A_198 = tpu.vector_load_idx %arg7[%add3A_197] : memref<12288xf32, #tpu.memory_space<vmem>>[vector<16xi32>], vector<16xf32>,
      %mul3A_199 = arith.constant 32 : i32
      %mul3A_200 = arith.muli %scan3A_177, %mul3A_199 : i32
      %add3A_201 = arith.constant 0 : i32
      %add3A_202 = arith.addi %mul3A_200, %add3A_201 : i32
      %add3A_203 = vector.broadcast %add3A_202 : i32 to vector<16xi32>
      %add3A_204 = arith.addi %iota3A, %add3A_203 : vector<16xi32>
      %sub3A_205 = arith.subf %gather3A_198, %gather3A_182 : vector<16xf32>
      tpu.vector_store_idx %arg11[%add3A_204], %sub3A_205 : memref<8192xf32, #tpu.memory_space<vmem>>[vector<16xi32>], vector<16xf32>,
      %mul3A_206 = arith.constant 32 : i32
      %mul3A_207 = arith.muli %scan3A_177, %mul3A_206 : i32
      %add3A_208 = arith.constant 16 : i32
      %add3A_209 = arith.addi %mul3A_207, %add3A_208 : i32
      %get3A_210 = arith.index_cast %add3A_209 : i32 to index
      %get3A_211 = tpu.vector_load %arg9[%get3A_210] {strides = array<i32>} : memref<8192xi32, #tpu.memory_space<vmem>>, vector<16xi32>,
      %jit3A_212 = arith.constant 0 : i32
      %jit3A_213 = arith.constant 4095 : i32
      %max3A_214 = vector.broadcast %jit3A_212 : i32 to vector<16xi32>
      %max3A_215 = arith.maxsi %max3A_214, %get3A_211 : vector<16xi32>
      %min3A_216 = vector.broadcast %jit3A_213 : i32 to vector<16xi32>
      %min3A_217 = arith.minsi %min3A_216, %max3A_215 : vector<16xi32>
      %add3A_218 = arith.constant 4096 : i32
      %add3A_219 = vector.broadcast %add3A_218 : i32 to vector<16xi32>
      %add3A_220 = arith.addi %min3A_217, %add3A_219 : vector<16xi32>
      %gather3A_221 = tpu.vector_load_idx %arg7[%add3A_220] : memref<12288xf32, #tpu.memory_space<vmem>>[vector<16xi32>], vector<16xf32>,
      %mul3A_222 = arith.constant 32 : i32
      %mul3A_223 = arith.muli %scan3A_177, %mul3A_222 : i32
      %add3A_224 = arith.constant 16 : i32
      %add3A_225 = arith.addi %mul3A_223, %add3A_224 : i32
      %add3A_226 = vector.broadcast %add3A_225 : i32 to vector<16xi32>
      %add3A_227 = arith.addi %iota3A, %add3A_226 : vector<16xi32>
      %sub3A_228 = arith.subf %gather3A_221, %gather3A_182 : vector<16xf32>
      tpu.vector_store_idx %arg11[%add3A_227], %sub3A_228 : memref<8192xf32, #tpu.memory_space<vmem>>[vector<16xi32>], vector<16xf32>,
    }
    %scan3A_94 = arith.constant 256 : i32
    %mul3A_95 = arith.constant 131 : i32
    %mul3A_96 = arith.muli %select_n3A, %mul3A_95 : i32
    %add3A_97 = arith.constant 1 : i32
    %add3A_98 = arith.addi %mul3A_96, %add3A_97 : i32
    %mul3A_99 = arith.constant 1024 : i32
    %mul3A_100 = arith.muli %add3A_98, %mul3A_99 : i32
    %mul3A_101 = arith.constant 32 : i32
    %mul3A_102 = arith.muli %mul3A_100, %mul3A_101 : i32
    %mul3A_103 = arith.constant 32 : i32
    %mul3A_104 = arith.muli %mul3A_32, %mul3A_103 : i32
    %add3A_105 = arith.addi %mul3A_102, %mul3A_104 : i32
    "tpu.region"() ({
      %run_scoped3A = tpu.sem_alloc : memref<!tpu.dma_semaphore, #tpu.memory_space<semaphore_mem>>
      %dma_start3A = tpu.memref_slice %arg6[%add3A_105] : memref<34340864xf32, #tpu.memory_space<hbm>> -> memref<8192xf32, #tpu.memory_space<hbm>>
      %dma_start3A_129 = tpu.memref_slice %arg6[%add3A_105] : memref<34340864xf32, #tpu.memory_space<hbm>> -> memref<8192xf32, #tpu.memory_space<hbm>>
      tpu.enqueue_dma source(%arg11 : memref<8192xf32, #tpu.memory_space<vmem>>) target(%dma_start3A_129 : memref<8192xf32, #tpu.memory_space<hbm>>) target_semaphore(%run_scoped3A : memref<!tpu.dma_semaphore, #tpu.memory_space<semaphore_mem>>)
      %dma_wait3A = tpu.memref_slice %arg6[%add3A_105] : memref<34340864xf32, #tpu.memory_space<hbm>> -> memref<8192xf32, #tpu.memory_space<hbm>>
      %dma_wait3A_130 = tpu.memref_slice %arg6[%add3A_105] : memref<34340864xf32, #tpu.memory_space<hbm>> -> memref<8192xf32, #tpu.memory_space<hbm>>
      tpu.wait_dma2 semaphore(%run_scoped3A : memref<!tpu.dma_semaphore, #tpu.memory_space<semaphore_mem>>) src(%arg11 : memref<8192xf32, #tpu.memory_space<vmem>>) dst(%dma_wait3A_130 : memref<8192xf32, #tpu.memory_space<hbm>>)
      tpu.yield
    }) : () -> ()
    %scan3A_106 = arith.constant 0 : i32
    %scan3A_107 = arith.constant 0 : i32
    %scan3A_108 = arith.constant 256 : i32
    %scan3A_109 = arith.addi %scan3A_107, %scan3A_108 : i32
    %scan3A_110 = arith.constant 2 : i32
    scf.for %scan3A_129 = %scan3A_107 to %scan3A_109 step %scan3A_110  : i32 {
      %add3A_130 = arith.constant 2048 : i32
      %add3A_131 = arith.addi %add3A_130, %mul3A_32 : i32
      %add3A_132 = arith.addi %add3A_131, %scan3A_129 : i32
      %broadcast_in_dim3A = vector.broadcast %add3A_132 : i32 to vector<16xi32>
      %gather3A = tpu.vector_load_idx %arg8[%broadcast_in_dim3A] : memref<3072xf32, #tpu.memory_space<vmem>>[vector<16xi32>], vector<16xf32>,
      %mul3A_133 = arith.constant 32 : i32
      %mul3A_134 = arith.muli %scan3A_129, %mul3A_133 : i32
      %add3A_135 = arith.constant 0 : i32
      %add3A_136 = arith.addi %mul3A_134, %add3A_135 : i32
      %get3A = arith.index_cast %add3A_136 : i32 to index
      %get3A_137 = tpu.vector_load %arg9[%get3A] {strides = array<i32>} : memref<8192xi32, #tpu.memory_space<vmem>>, vector<16xi32>,
      %jit3A_138 = arith.constant 0 : i32
      %jit3A_139 = arith.constant 4095 : i32
      %max3A = vector.broadcast %jit3A_138 : i32 to vector<16xi32>
      %max3A_140 = arith.maxsi %max3A, %get3A_137 : vector<16xi32>
      %min3A = vector.broadcast %jit3A_139 : i32 to vector<16xi32>
      %min3A_141 = arith.minsi %min3A, %max3A_140 : vector<16xi32>
      %add3A_142 = arith.constant 8192 : i32
      %add3A_143 = vector.broadcast %add3A_142 : i32 to vector<16xi32>
      %add3A_144 = arith.addi %min3A_141, %add3A_143 : vector<16xi32>
      %gather3A_145 = tpu.vector_load_idx %arg7[%add3A_144] : memref<12288xf32, #tpu.memory_space<vmem>>[vector<16xi32>], vector<16xf32>,
      %mul3A_146 = arith.constant 32 : i32
      %mul3A_147 = arith.muli %scan3A_129, %mul3A_146 : i32
      %add3A_148 = arith.constant 0 : i32
      %add3A_149 = arith.addi %mul3A_147, %add3A_148 : i32
      %add3A_150 = vector.broadcast %add3A_149 : i32 to vector<16xi32>
      %add3A_151 = arith.addi %iota3A, %add3A_150 : vector<16xi32>
      %sub3A_152 = arith.subf %gather3A_145, %gather3A : vector<16xf32>
      tpu.vector_store_idx %arg11[%add3A_151], %sub3A_152 : memref<8192xf32, #tpu.memory_space<vmem>>[vector<16xi32>], vector<16xf32>,
      %mul3A_153 = arith.constant 32 : i32
      %mul3A_154 = arith.muli %scan3A_129, %mul3A_153 : i32
      %add3A_155 = arith.constant 16 : i32
      %add3A_156 = arith.addi %mul3A_154, %add3A_155 : i32
      %get3A_157 = arith.index_cast %add3A_156 : i32 to index
      %get3A_158 = tpu.vector_load %arg9[%get3A_157] {strides = array<i32>} : memref<8192xi32, #tpu.memory_space<vmem>>, vector<16xi32>,
      %jit3A_159 = arith.constant 0 : i32
      %jit3A_160 = arith.constant 4095 : i32
      %max3A_161 = vector.broadcast %jit3A_159 : i32 to vector<16xi32>
      %max3A_162 = arith.maxsi %max3A_161, %get3A_158 : vector<16xi32>
      %min3A_163 = vector.broadcast %jit3A_160 : i32 to vector<16xi32>
      %min3A_164 = arith.minsi %min3A_163, %max3A_162 : vector<16xi32>
      %add3A_165 = arith.constant 8192 : i32
      %add3A_166 = vector.broadcast %add3A_165 : i32 to vector<16xi32>
      %add3A_167 = arith.addi %min3A_164, %add3A_166 : vector<16xi32>
      %gather3A_168 = tpu.vector_load_idx %arg7[%add3A_167] : memref<12288xf32, #tpu.memory_space<vmem>>[vector<16xi32>], vector<16xf32>,
      %mul3A_169 = arith.constant 32 : i32
      %mul3A_170 = arith.muli %scan3A_129, %mul3A_169 : i32
      %add3A_171 = arith.constant 16 : i32
      %add3A_172 = arith.addi %mul3A_170, %add3A_171 : i32
      %add3A_173 = vector.broadcast %add3A_172 : i32 to vector<16xi32>
      %add3A_174 = arith.addi %iota3A, %add3A_173 : vector<16xi32>
      %sub3A_175 = arith.subf %gather3A_168, %gather3A : vector<16xf32>
      tpu.vector_store_idx %arg11[%add3A_174], %sub3A_175 : memref<8192xf32, #tpu.memory_space<vmem>>[vector<16xi32>], vector<16xf32>,
      %scan3A_176 = arith.constant 1 : i32
      %scan3A_177 = arith.addi %scan3A_129, %scan3A_176 : i32
      %add3A_178 = arith.constant 2048 : i32
      %add3A_179 = arith.addi %add3A_178, %mul3A_32 : i32
      %add3A_180 = arith.addi %add3A_179, %scan3A_177 : i32
      %broadcast_in_dim3A_181 = vector.broadcast %add3A_180 : i32 to vector<16xi32>
      %gather3A_182 = tpu.vector_load_idx %arg8[%broadcast_in_dim3A_181] : memref<3072xf32, #tpu.memory_space<vmem>>[vector<16xi32>], vector<16xf32>,
      %mul3A_183 = arith.constant 32 : i32
      %mul3A_184 = arith.muli %scan3A_177, %mul3A_183 : i32
      %add3A_185 = arith.constant 0 : i32
      %add3A_186 = arith.addi %mul3A_184, %add3A_185 : i32
      %get3A_187 = arith.index_cast %add3A_186 : i32 to index
      %get3A_188 = tpu.vector_load %arg9[%get3A_187] {strides = array<i32>} : memref<8192xi32, #tpu.memory_space<vmem>>, vector<16xi32>,
      %jit3A_189 = arith.constant 0 : i32
      %jit3A_190 = arith.constant 4095 : i32
      %max3A_191 = vector.broadcast %jit3A_189 : i32 to vector<16xi32>
      %max3A_192 = arith.maxsi %max3A_191, %get3A_188 : vector<16xi32>
      %min3A_193 = vector.broadcast %jit3A_190 : i32 to vector<16xi32>
      %min3A_194 = arith.minsi %min3A_193, %max3A_192 : vector<16xi32>
      %add3A_195 = arith.constant 8192 : i32
      %add3A_196 = vector.broadcast %add3A_195 : i32 to vector<16xi32>
      %add3A_197 = arith.addi %min3A_194, %add3A_196 : vector<16xi32>
      %gather3A_198 = tpu.vector_load_idx %arg7[%add3A_197] : memref<12288xf32, #tpu.memory_space<vmem>>[vector<16xi32>], vector<16xf32>,
      %mul3A_199 = arith.constant 32 : i32
      %mul3A_200 = arith.muli %scan3A_177, %mul3A_199 : i32
      %add3A_201 = arith.constant 0 : i32
      %add3A_202 = arith.addi %mul3A_200, %add3A_201 : i32
      %add3A_203 = vector.broadcast %add3A_202 : i32 to vector<16xi32>
      %add3A_204 = arith.addi %iota3A, %add3A_203 : vector<16xi32>
      %sub3A_205 = arith.subf %gather3A_198, %gather3A_182 : vector<16xf32>
      tpu.vector_store_idx %arg11[%add3A_204], %sub3A_205 : memref<8192xf32, #tpu.memory_space<vmem>>[vector<16xi32>], vector<16xf32>,
      %mul3A_206 = arith.constant 32 : i32
      %mul3A_207 = arith.muli %scan3A_177, %mul3A_206 : i32
      %add3A_208 = arith.constant 16 : i32
      %add3A_209 = arith.addi %mul3A_207, %add3A_208 : i32
      %get3A_210 = arith.index_cast %add3A_209 : i32 to index
      %get3A_211 = tpu.vector_load %arg9[%get3A_210] {strides = array<i32>} : memref<8192xi32, #tpu.memory_space<vmem>>, vector<16xi32>,
      %jit3A_212 = arith.constant 0 : i32
      %jit3A_213 = arith.constant 4095 : i32
      %max3A_214 = vector.broadcast %jit3A_212 : i32 to vector<16xi32>
      %max3A_215 = arith.maxsi %max3A_214, %get3A_211 : vector<16xi32>
      %min3A_216 = vector.broadcast %jit3A_213 : i32 to vector<16xi32>
      %min3A_217 = arith.minsi %min3A_216, %max3A_215 : vector<16xi32>
      %add3A_218 = arith.constant 8192 : i32
      %add3A_219 = vector.broadcast %add3A_218 : i32 to vector<16xi32>
      %add3A_220 = arith.addi %min3A_217, %add3A_219 : vector<16xi32>
      %gather3A_221 = tpu.vector_load_idx %arg7[%add3A_220] : memref<12288xf32, #tpu.memory_space<vmem>>[vector<16xi32>], vector<16xf32>,
      %mul3A_222 = arith.constant 32 : i32
      %mul3A_223 = arith.muli %scan3A_177, %mul3A_222 : i32
      %add3A_224 = arith.constant 16 : i32
      %add3A_225 = arith.addi %mul3A_223, %add3A_224 : i32
      %add3A_226 = vector.broadcast %add3A_225 : i32 to vector<16xi32>
      %add3A_227 = arith.addi %iota3A, %add3A_226 : vector<16xi32>
      %sub3A_228 = arith.subf %gather3A_221, %gather3A_182 : vector<16xf32>
      tpu.vector_store_idx %arg11[%add3A_227], %sub3A_228 : memref<8192xf32, #tpu.memory_space<vmem>>[vector<16xi32>], vector<16xf32>,
    }
    %scan3A_111 = arith.constant 256 : i32
    %mul3A_112 = arith.constant 131 : i32
    %mul3A_113 = arith.muli %select_n3A, %mul3A_112 : i32
    %add3A_114 = arith.constant 2 : i32
    %add3A_115 = arith.addi %mul3A_113, %add3A_114 : i32
    %mul3A_116 = arith.constant 1024 : i32
    %mul3A_117 = arith.muli %add3A_115, %mul3A_116 : i32
    %mul3A_118 = arith.constant 32 : i32
    %mul3A_119 = arith.muli %mul3A_117, %mul3A_118 : i32
    %mul3A_120 = arith.constant 32 : i32
    %mul3A_121 = arith.muli %mul3A_32, %mul3A_120 : i32
    %add3A_122 = arith.addi %mul3A_119, %mul3A_121 : i32
    "tpu.region"() ({
      %run_scoped3A = tpu.sem_alloc : memref<!tpu.dma_semaphore, #tpu.memory_space<semaphore_mem>>
      %dma_start3A = tpu.memref_slice %arg6[%add3A_122] : memref<34340864xf32, #tpu.memory_space<hbm>> -> memref<8192xf32, #tpu.memory_space<hbm>>
      %dma_start3A_129 = tpu.memref_slice %arg6[%add3A_122] : memref<34340864xf32, #tpu.memory_space<hbm>> -> memref<8192xf32, #tpu.memory_space<hbm>>
      tpu.enqueue_dma source(%arg11 : memref<8192xf32, #tpu.memory_space<vmem>>) target(%dma_start3A_129 : memref<8192xf32, #tpu.memory_space<hbm>>) target_semaphore(%run_scoped3A : memref<!tpu.dma_semaphore, #tpu.memory_space<semaphore_mem>>)
      %dma_wait3A = tpu.memref_slice %arg6[%add3A_122] : memref<34340864xf32, #tpu.memory_space<hbm>> -> memref<8192xf32, #tpu.memory_space<hbm>>
      %dma_wait3A_130 = tpu.memref_slice %arg6[%add3A_122] : memref<34340864xf32, #tpu.memory_space<hbm>> -> memref<8192xf32, #tpu.memory_space<hbm>>
      tpu.wait_dma2 semaphore(%run_scoped3A : memref<!tpu.dma_semaphore, #tpu.memory_space<semaphore_mem>>) src(%arg11 : memref<8192xf32, #tpu.memory_space<vmem>>) dst(%dma_wait3A_130 : memref<8192xf32, #tpu.memory_space<hbm>>)
      tpu.yield
    }) : () -> ()
    %scan3A_123 = arith.constant 0 : i32
    %scan3A_124 = arith.constant 0 : i32
    %scan3A_125 = arith.constant 128 : i32
    %scan3A_126 = arith.addi %scan3A_124, %scan3A_125 : i32
    %scan3A_127 = arith.constant 1 : i32
    scf.for %scan3A_129 = %scan3A_124 to %scan3A_126 step %scan3A_127  : i32 {
      %mul3A_130 = arith.constant 128 : i32
      %mul3A_131 = arith.muli %select_n3A, %mul3A_130 : i32
      %add3A_132 = arith.addi %mul3A_131, %scan3A_129 : i32
      %mul3A_133 = arith.constant 4096 : i32
      %mul3A_134 = arith.muli %add3A_132, %mul3A_133 : i32
      "tpu.region"() ({
        %run_scoped3A = tpu.sem_alloc : memref<!tpu.dma_semaphore, #tpu.memory_space<semaphore_mem>>
        %dma_start3A = tpu.memref_slice %arg4[%mul3A_134] : memref<4194304xf32, #tpu.memory_space<hbm>> -> memref<4096xf32, #tpu.memory_space<hbm>>
        %dma_start3A_153 = tpu.memref_slice %arg4[%mul3A_134] : memref<4194304xf32, #tpu.memory_space<hbm>> -> memref<4096xf32, #tpu.memory_space<hbm>>
        tpu.enqueue_dma source(%dma_start3A_153 : memref<4096xf32, #tpu.memory_space<hbm>>) target(%arg10 : memref<4096xf32, #tpu.memory_space<vmem>>) target_semaphore(%run_scoped3A : memref<!tpu.dma_semaphore, #tpu.memory_space<semaphore_mem>>)
        %dma_wait3A = tpu.memref_slice %arg4[%mul3A_134] : memref<4194304xf32, #tpu.memory_space<hbm>> -> memref<4096xf32, #tpu.memory_space<hbm>>
        %dma_wait3A_154 = tpu.memref_slice %arg4[%mul3A_134] : memref<4194304xf32, #tpu.memory_space<hbm>> -> memref<4096xf32, #tpu.memory_space<hbm>>
        tpu.wait_dma2 semaphore(%run_scoped3A : memref<!tpu.dma_semaphore, #tpu.memory_space<semaphore_mem>>) src(%dma_wait3A_154 : memref<4096xf32, #tpu.memory_space<hbm>>) dst(%arg10 : memref<4096xf32, #tpu.memory_space<vmem>>)
        tpu.yield
      }) : () -> ()
      %scan3A_135 = arith.constant 0 : i32
      %scan3A_136 = arith.constant 0 : i32
      %scan3A_137 = arith.constant 256 : i32
      %scan3A_138 = arith.addi %scan3A_136, %scan3A_137 : i32
      %scan3A_139 = arith.constant 4 : i32
      scf.for %scan3A_153 = %scan3A_136 to %scan3A_138 step %scan3A_139  : i32 {
        %mul3A_154 = arith.constant 32 : i32
        %mul3A_155 = arith.muli %scan3A_153, %mul3A_154 : i32
        %add3A_156 = arith.constant 0 : i32
        %add3A_157 = arith.addi %mul3A_155, %add3A_156 : i32
        %get3A = arith.index_cast %add3A_157 : i32 to index
        %get3A_158 = tpu.vector_load %arg9[%get3A] {strides = array<i32>} : memref<8192xi32, #tpu.memory_space<vmem>>, vector<16xi32>,
        %jit3A_159 = arith.constant 0 : i32
        %jit3A_160 = arith.constant 4095 : i32
        %max3A = vector.broadcast %jit3A_159 : i32 to vector<16xi32>
        %max3A_161 = arith.maxsi %max3A, %get3A_158 : vector<16xi32>
        %min3A = vector.broadcast %jit3A_160 : i32 to vector<16xi32>
        %min3A_162 = arith.minsi %min3A, %max3A_161 : vector<16xi32>
        %mul3A_163 = arith.constant 32 : i32
        %mul3A_164 = arith.muli %scan3A_153, %mul3A_163 : i32
        %add3A_165 = arith.constant 0 : i32
        %add3A_166 = arith.addi %mul3A_164, %add3A_165 : i32
        %add3A_167 = vector.broadcast %add3A_166 : i32 to vector<16xi32>
        %add3A_168 = arith.addi %iota3A, %add3A_167 : vector<16xi32>
        %gather3A = tpu.vector_load_idx %arg10[%min3A_162] : memref<4096xf32, #tpu.memory_space<vmem>>[vector<16xi32>], vector<16xf32>,
        tpu.vector_store_idx %arg11[%add3A_168], %gather3A : memref<8192xf32, #tpu.memory_space<vmem>>[vector<16xi32>], vector<16xf32>,
        %mul3A_169 = arith.constant 32 : i32
        %mul3A_170 = arith.muli %scan3A_153, %mul3A_169 : i32
        %add3A_171 = arith.constant 16 : i32
        %add3A_172 = arith.addi %mul3A_170, %add3A_171 : i32
        %get3A_173 = arith.index_cast %add3A_172 : i32 to index
        %get3A_174 = tpu.vector_load %arg9[%get3A_173] {strides = array<i32>} : memref<8192xi32, #tpu.memory_space<vmem>>, vector<16xi32>,
        %jit3A_175 = arith.constant 0 : i32
        %jit3A_176 = arith.constant 4095 : i32
        %max3A_177 = vector.broadcast %jit3A_175 : i32 to vector<16xi32>
        %max3A_178 = arith.maxsi %max3A_177, %get3A_174 : vector<16xi32>
        %min3A_179 = vector.broadcast %jit3A_176 : i32 to vector<16xi32>
        %min3A_180 = arith.minsi %min3A_179, %max3A_178 : vector<16xi32>
        %mul3A_181 = arith.constant 32 : i32
        %mul3A_182 = arith.muli %scan3A_153, %mul3A_181 : i32
        %add3A_183 = arith.constant 16 : i32
        %add3A_184 = arith.addi %mul3A_182, %add3A_183 : i32
        %add3A_185 = vector.broadcast %add3A_184 : i32 to vector<16xi32>
        %add3A_186 = arith.addi %iota3A, %add3A_185 : vector<16xi32>
        %gather3A_187 = tpu.vector_load_idx %arg10[%min3A_180] : memref<4096xf32, #tpu.memory_space<vmem>>[vector<16xi32>], vector<16xf32>,
        tpu.vector_store_idx %arg11[%add3A_186], %gather3A_187 : memref<8192xf32, #tpu.memory_space<vmem>>[vector<16xi32>], vector<16xf32>,
        %scan3A_188 = arith.constant 1 : i32
        %scan3A_189 = arith.addi %scan3A_153, %scan3A_188 : i32
        %mul3A_190 = arith.constant 32 : i32
        %mul3A_191 = arith.muli %scan3A_189, %mul3A_190 : i32
        %add3A_192 = arith.constant 0 : i32
        %add3A_193 = arith.addi %mul3A_191, %add3A_192 : i32
        %get3A_194 = arith.index_cast %add3A_193 : i32 to index
        %get3A_195 = tpu.vector_load %arg9[%get3A_194] {strides = array<i32>} : memref<8192xi32, #tpu.memory_space<vmem>>, vector<16xi32>,
        %jit3A_196 = arith.constant 0 : i32
        %jit3A_197 = arith.constant 4095 : i32
        %max3A_198 = vector.broadcast %jit3A_196 : i32 to vector<16xi32>
        %max3A_199 = arith.maxsi %max3A_198, %get3A_195 : vector<16xi32>
        %min3A_200 = vector.broadcast %jit3A_197 : i32 to vector<16xi32>
        %min3A_201 = arith.minsi %min3A_200, %max3A_199 : vector<16xi32>
        %mul3A_202 = arith.constant 32 : i32
        %mul3A_203 = arith.muli %scan3A_189, %mul3A_202 : i32
        %add3A_204 = arith.constant 0 : i32
        %add3A_205 = arith.addi %mul3A_203, %add3A_204 : i32
        %add3A_206 = vector.broadcast %add3A_205 : i32 to vector<16xi32>
        %add3A_207 = arith.addi %iota3A, %add3A_206 : vector<16xi32>
        %gather3A_208 = tpu.vector_load_idx %arg10[%min3A_201] : memref<4096xf32, #tpu.memory_space<vmem>>[vector<16xi32>], vector<16xf32>,
        tpu.vector_store_idx %arg11[%add3A_207], %gather3A_208 : memref<8192xf32, #tpu.memory_space<vmem>>[vector<16xi32>], vector<16xf32>,
        %mul3A_209 = arith.constant 32 : i32
        %mul3A_210 = arith.muli %scan3A_189, %mul3A_209 : i32
        %add3A_211 = arith.constant 16 : i32
        %add3A_212 = arith.addi %mul3A_210, %add3A_211 : i32
        %get3A_213 = arith.index_cast %add3A_212 : i32 to index
        %get3A_214 = tpu.vector_load %arg9[%get3A_213] {strides = array<i32>} : memref<8192xi32, #tpu.memory_space<vmem>>, vector<16xi32>,
        %jit3A_215 = arith.constant 0 : i32
        %jit3A_216 = arith.constant 4095 : i32
        %max3A_217 = vector.broadcast %jit3A_215 : i32 to vector<16xi32>
        %max3A_218 = arith.maxsi %max3A_217, %get3A_214 : vector<16xi32>
        %min3A_219 = vector.broadcast %jit3A_216 : i32 to vector<16xi32>
        %min3A_220 = arith.minsi %min3A_219, %max3A_218 : vector<16xi32>
        %mul3A_221 = arith.constant 32 : i32
        %mul3A_222 = arith.muli %scan3A_189, %mul3A_221 : i32
        %add3A_223 = arith.constant 16 : i32
        %add3A_224 = arith.addi %mul3A_222, %add3A_223 : i32
        %add3A_225 = vector.broadcast %add3A_224 : i32 to vector<16xi32>
        %add3A_226 = arith.addi %iota3A, %add3A_225 : vector<16xi32>
        %gather3A_227 = tpu.vector_load_idx %arg10[%min3A_220] : memref<4096xf32, #tpu.memory_space<vmem>>[vector<16xi32>], vector<16xf32>,
        tpu.vector_store_idx %arg11[%add3A_226], %gather3A_227 : memref<8192xf32, #tpu.memory_space<vmem>>[vector<16xi32>], vector<16xf32>,
        %scan3A_228 = arith.constant 2 : i32
        %scan3A_229 = arith.addi %scan3A_153, %scan3A_228 : i32
        %mul3A_230 = arith.constant 32 : i32
        %mul3A_231 = arith.muli %scan3A_229, %mul3A_230 : i32
        %add3A_232 = arith.constant 0 : i32
        %add3A_233 = arith.addi %mul3A_231, %add3A_232 : i32
        %get3A_234 = arith.index_cast %add3A_233 : i32 to index
        %get3A_235 = tpu.vector_load %arg9[%get3A_234] {strides = array<i32>} : memref<8192xi32, #tpu.memory_space<vmem>>, vector<16xi32>,
        %jit3A_236 = arith.constant 0 : i32
        %jit3A_237 = arith.constant 4095 : i32
        %max3A_238 = vector.broadcast %jit3A_236 : i32 to vector<16xi32>
        %max3A_239 = arith.maxsi %max3A_238, %get3A_235 : vector<16xi32>
        %min3A_240 = vector.broadcast %jit3A_237 : i32 to vector<16xi32>
        %min3A_241 = arith.minsi %min3A_240, %max3A_239 : vector<16xi32>
        %mul3A_242 = arith.constant 32 : i32
        %mul3A_243 = arith.muli %scan3A_229, %mul3A_242 : i32
        %add3A_244 = arith.constant 0 : i32
        %add3A_245 = arith.addi %mul3A_243, %add3A_244 : i32
        %add3A_246 = vector.broadcast %add3A_245 : i32 to vector<16xi32>
        %add3A_247 = arith.addi %iota3A, %add3A_246 : vector<16xi32>
        %gather3A_248 = tpu.vector_load_idx %arg10[%min3A_241] : memref<4096xf32, #tpu.memory_space<vmem>>[vector<16xi32>], vector<16xf32>,
        tpu.vector_store_idx %arg11[%add3A_247], %gather3A_248 : memref<8192xf32, #tpu.memory_space<vmem>>[vector<16xi32>], vector<16xf32>,
        %mul3A_249 = arith.constant 32 : i32
        %mul3A_250 = arith.muli %scan3A_229, %mul3A_249 : i32
        %add3A_251 = arith.constant 16 : i32
        %add3A_252 = arith.addi %mul3A_250, %add3A_251 : i32
        %get3A_253 = arith.index_cast %add3A_252 : i32 to index
        %get3A_254 = tpu.vector_load %arg9[%get3A_253] {strides = array<i32>} : memref<8192xi32, #tpu.memory_space<vmem>>, vector<16xi32>,
        %jit3A_255 = arith.constant 0 : i32
        %jit3A_256 = arith.constant 4095 : i32
        %max3A_257 = vector.broadcast %jit3A_255 : i32 to vector<16xi32>
        %max3A_258 = arith.maxsi %max3A_257, %get3A_254 : vector<16xi32>
        %min3A_259 = vector.broadcast %jit3A_256 : i32 to vector<16xi32>
        %min3A_260 = arith.minsi %min3A_259, %max3A_258 : vector<16xi32>
        %mul3A_261 = arith.constant 32 : i32
        %mul3A_262 = arith.muli %scan3A_229, %mul3A_261 : i32
        %add3A_263 = arith.constant 16 : i32
        %add3A_264 = arith.addi %mul3A_262, %add3A_263 : i32
        %add3A_265 = vector.broadcast %add3A_264 : i32 to vector<16xi32>
        %add3A_266 = arith.addi %iota3A, %add3A_265 : vector<16xi32>
        %gather3A_267 = tpu.vector_load_idx %arg10[%min3A_260] : memref<4096xf32, #tpu.memory_space<vmem>>[vector<16xi32>], vector<16xf32>,
        tpu.vector_store_idx %arg11[%add3A_266], %gather3A_267 : memref<8192xf32, #tpu.memory_space<vmem>>[vector<16xi32>], vector<16xf32>,
        %scan3A_268 = arith.constant 3 : i32
        %scan3A_269 = arith.addi %scan3A_153, %scan3A_268 : i32
        %mul3A_270 = arith.constant 32 : i32
        %mul3A_271 = arith.muli %scan3A_269, %mul3A_270 : i32
        %add3A_272 = arith.constant 0 : i32
        %add3A_273 = arith.addi %mul3A_271, %add3A_272 : i32
        %get3A_274 = arith.index_cast %add3A_273 : i32 to index
        %get3A_275 = tpu.vector_load %arg9[%get3A_274] {strides = array<i32>} : memref<8192xi32, #tpu.memory_space<vmem>>, vector<16xi32>,
        %jit3A_276 = arith.constant 0 : i32
        %jit3A_277 = arith.constant 4095 : i32
        %max3A_278 = vector.broadcast %jit3A_276 : i32 to vector<16xi32>
        %max3A_279 = arith.maxsi %max3A_278, %get3A_275 : vector<16xi32>
        %min3A_280 = vector.broadcast %jit3A_277 : i32 to vector<16xi32>
        %min3A_281 = arith.minsi %min3A_280, %max3A_279 : vector<16xi32>
        %mul3A_282 = arith.constant 32 : i32
        %mul3A_283 = arith.muli %scan3A_269, %mul3A_282 : i32
        %add3A_284 = arith.constant 0 : i32
        %add3A_285 = arith.addi %mul3A_283, %add3A_284 : i32
        %add3A_286 = vector.broadcast %add3A_285 : i32 to vector<16xi32>
        %add3A_287 = arith.addi %iota3A, %add3A_286 : vector<16xi32>
        %gather3A_288 = tpu.vector_load_idx %arg10[%min3A_281] : memref<4096xf32, #tpu.memory_space<vmem>>[vector<16xi32>], vector<16xf32>,
        tpu.vector_store_idx %arg11[%add3A_287], %gather3A_288 : memref<8192xf32, #tpu.memory_space<vmem>>[vector<16xi32>], vector<16xf32>,
        %mul3A_289 = arith.constant 32 : i32
        %mul3A_290 = arith.muli %scan3A_269, %mul3A_289 : i32
        %add3A_291 = arith.constant 16 : i32
        %add3A_292 = arith.addi %mul3A_290, %add3A_291 : i32
        %get3A_293 = arith.index_cast %add3A_292 : i32 to index
        %get3A_294 = tpu.vector_load %arg9[%get3A_293] {strides = array<i32>} : memref<8192xi32, #tpu.memory_space<vmem>>, vector<16xi32>,
        %jit3A_295 = arith.constant 0 : i32
        %jit3A_296 = arith.constant 4095 : i32
        %max3A_297 = vector.broadcast %jit3A_295 : i32 to vector<16xi32>
        %max3A_298 = arith.maxsi %max3A_297, %get3A_294 : vector<16xi32>
        %min3A_299 = vector.broadcast %jit3A_296 : i32 to vector<16xi32>
        %min3A_300 = arith.minsi %min3A_299, %max3A_298 : vector<16xi32>
        %mul3A_301 = arith.constant 32 : i32
        %mul3A_302 = arith.muli %scan3A_269, %mul3A_301 : i32
        %add3A_303 = arith.constant 16 : i32
        %add3A_304 = arith.addi %mul3A_302, %add3A_303 : i32
        %add3A_305 = vector.broadcast %add3A_304 : i32 to vector<16xi32>
        %add3A_306 = arith.addi %iota3A, %add3A_305 : vector<16xi32>
        %gather3A_307 = tpu.vector_load_idx %arg10[%min3A_300] : memref<4096xf32, #tpu.memory_space<vmem>>[vector<16xi32>], vector<16xf32>,
        tpu.vector_store_idx %arg11[%add3A_306], %gather3A_307 : memref<8192xf32, #tpu.memory_space<vmem>>[vector<16xi32>], vector<16xf32>,
      }
      %scan3A_140 = arith.constant 256 : i32
      %mul3A_141 = arith.constant 131 : i32
      %mul3A_142 = arith.muli %select_n3A, %mul3A_141 : i32
      %add3A_143 = arith.constant 3 : i32
      %add3A_144 = arith.addi %mul3A_142, %add3A_143 : i32
      %add3A_145 = arith.addi %add3A_144, %scan3A_129 : i32
      %mul3A_146 = arith.constant 1024 : i32
      %mul3A_147 = arith.muli %add3A_145, %mul3A_146 : i32
      %mul3A_148 = arith.constant 32 : i32
      %mul3A_149 = arith.muli %mul3A_147, %mul3A_148 : i32
      %mul3A_150 = arith.constant 32 : i32
      %mul3A_151 = arith.muli %mul3A_32, %mul3A_150 : i32
      %add3A_152 = arith.addi %mul3A_149, %mul3A_151 : i32
      "tpu.region"() ({
        %run_scoped3A = tpu.sem_alloc : memref<!tpu.dma_semaphore, #tpu.memory_space<semaphore_mem>>
        %dma_start3A = tpu.memref_slice %arg6[%add3A_152] : memref<34340864xf32, #tpu.memory_space<hbm>> -> memref<8192xf32, #tpu.memory_space<hbm>>
        %dma_start3A_153 = tpu.memref_slice %arg6[%add3A_152] : memref<34340864xf32, #tpu.memory_space<hbm>> -> memref<8192xf32, #tpu.memory_space<hbm>>
        tpu.enqueue_dma source(%arg11 : memref<8192xf32, #tpu.memory_space<vmem>>) target(%dma_start3A_153 : memref<8192xf32, #tpu.memory_space<hbm>>) target_semaphore(%run_scoped3A : memref<!tpu.dma_semaphore, #tpu.memory_space<semaphore_mem>>)
        %dma_wait3A = tpu.memref_slice %arg6[%add3A_152] : memref<34340864xf32, #tpu.memory_space<hbm>> -> memref<8192xf32, #tpu.memory_space<hbm>>
        %dma_wait3A_154 = tpu.memref_slice %arg6[%add3A_152] : memref<34340864xf32, #tpu.memory_space<hbm>> -> memref<8192xf32, #tpu.memory_space<hbm>>
        tpu.wait_dma2 semaphore(%run_scoped3A : memref<!tpu.dma_semaphore, #tpu.memory_space<semaphore_mem>>) src(%arg11 : memref<8192xf32, #tpu.memory_space<vmem>>) dst(%dma_wait3A_154 : memref<8192xf32, #tpu.memory_space<hbm>>)
        tpu.yield
      }) : () -> ()
    }
    %scan3A_128 = arith.constant 128 : i32
    return
  }
}

#map = affine_map<(d0, d1) -> (0)>
module attributes {stable_mosaic.version = 14 : i64} {
  func.func @_select_kernel(%arg0: i32, %arg1: i32, %arg2: memref<24576xf32, #tpu.memory_space<hbm>>, %arg3: memref<98304xf32, #tpu.memory_space<hbm>>, %arg4: memref<8192xf32, #tpu.memory_space<hbm>>, %arg5: memref<32768xf32, #tpu.memory_space<hbm>>, %arg6: memref<262144xi32, #tpu.memory_space<hbm>>, %arg7: memref<12288xf32, #tpu.memory_space<vmem>>, %arg8: memref<3072xf32, #tpu.memory_space<vmem>>, %arg9: memref<1024xf32, #tpu.memory_space<vmem>>, %arg10: memref<4096xf32, #tpu.memory_space<vmem>>, %arg11: memref<8192xi32, #tpu.memory_space<vmem>>) attributes {dimension_semantics = [#tpu.dimension_semantics<core_parallel>, #tpu.dimension_semantics<subcore_parallel>], iteration_bounds = array<i64: 2, 16>, scalar_prefetch = 0 : i64, scratch_operands = 5 : i64, tpu.core_type = #tpu.core_type<sc_vector_subcore>, window_params = [{transform_indices = #map}, {transform_indices = #map}, {transform_indices = #map}, {transform_indices = #map}, {transform_indices = #map}]} {
    %mul3A = arith.constant 2 : i32
    %mul3A_0 = arith.muli %arg1, %mul3A : i32
    %add3A = arith.addi %mul3A_0, %arg0 : i32
    %jit3A = arith.constant 4 : i32
    %div3A = arith.divsi %add3A, %jit3A : i32
    %sign3A = arith.constant 0 : i32
    %sign3A_1 = arith.cmpi sgt, %add3A, %sign3A : i32
    %sign3A_2 = arith.extui %sign3A_1 : i1 to i32
    %sign3A_3 = arith.constant 0 : i32
    %sign3A_4 = arith.cmpi slt, %add3A, %sign3A_3 : i32
    %sign3A_5 = arith.extui %sign3A_4 : i1 to i32
    %sign3A_6 = arith.subi %sign3A_2, %sign3A_5 : i32
    %sign3A_7 = arith.constant 0 : i32
    %sign3A_8 = arith.cmpi sgt, %jit3A, %sign3A_7 : i32
    %sign3A_9 = arith.extui %sign3A_8 : i1 to i32
    %sign3A_10 = arith.constant 0 : i32
    %sign3A_11 = arith.cmpi slt, %jit3A, %sign3A_10 : i32
    %sign3A_12 = arith.extui %sign3A_11 : i1 to i32
    %sign3A_13 = arith.subi %sign3A_9, %sign3A_12 : i32
    %ne3A = arith.cmpi ne, %sign3A_6, %sign3A_13 : i32
    %rem3A = arith.remsi %add3A, %jit3A : i32
    %ne3A_14 = arith.constant 0 : i32
    %ne3A_15 = arith.cmpi ne, %rem3A, %ne3A_14 : i32
    %and3A = arith.andi %ne3A, %ne3A_15 : i1
    %sub3A = arith.constant 1 : i32
    %sub3A_16 = arith.subi %div3A, %sub3A : i32
    %select_n3A = arith.select %and3A, %sub3A_16, %div3A : i32
    %jit3A_17 = arith.constant 4 : i32
    %eq3A = arith.constant 0 : i32
    %eq3A_18 = arith.cmpi eq, %jit3A_17, %eq3A : i32
    %jit3A_19 = arith.constant 1 : i32
    %select_n3A_20 = arith.select %eq3A_18, %jit3A_19, %jit3A_17 : i32
    %rem3A_21 = arith.remsi %add3A, %select_n3A_20 : i32
    %ne3A_22 = arith.constant 0 : i32
    %ne3A_23 = arith.cmpi ne, %rem3A_21, %ne3A_22 : i32
    %lt3A = arith.constant 0 : i32
    %lt3A_24 = arith.cmpi slt, %rem3A_21, %lt3A : i32
    %lt3A_25 = arith.constant 0 : i32
    %lt3A_26 = arith.cmpi slt, %select_n3A_20, %lt3A_25 : i32
    %ne3A_27 = arith.xori %lt3A_24, %lt3A_26 : i1
    %and3A_28 = arith.andi %ne3A_27, %ne3A_23 : i1
    %add3A_29 = arith.addi %rem3A_21, %select_n3A_20 : i32
    %select_n3A_30 = arith.select %and3A_28, %add3A_29, %rem3A_21 : i32
    %mul3A_31 = arith.constant 256 : i32
    %mul3A_32 = arith.muli %select_n3A_30, %mul3A_31 : i32
    %mul3A_33 = arith.constant 3 : i32
    %mul3A_34 = arith.muli %select_n3A, %mul3A_33 : i32
    %add3A_35 = arith.constant 0 : i32
    %add3A_36 = arith.addi %mul3A_34, %add3A_35 : i32
    %mul3A_37 = arith.constant 4096 : i32
    %mul3A_38 = arith.muli %add3A_36, %mul3A_37 : i32
    "tpu.region"() ({
      %run_scoped3A = tpu.sem_alloc : memref<!tpu.dma_semaphore, #tpu.memory_space<semaphore_mem>>
      %dma_start3A = arith.constant 0 : i32
      %dma_start3A_82 = tpu.memref_slice %arg7[%dma_start3A] : memref<12288xf32, #tpu.memory_space<vmem>> -> memref<4096xf32, #tpu.memory_space<vmem>>
      %dma_start3A_83 = tpu.memref_slice %arg3[%mul3A_38] : memref<98304xf32, #tpu.memory_space<hbm>> -> memref<4096xf32, #tpu.memory_space<hbm>>
      %dma_start3A_84 = arith.constant 0 : i32
      %dma_start3A_85 = tpu.memref_slice %arg7[%dma_start3A_84] : memref<12288xf32, #tpu.memory_space<vmem>> -> memref<4096xf32, #tpu.memory_space<vmem>>
      %dma_start3A_86 = tpu.memref_slice %arg3[%mul3A_38] : memref<98304xf32, #tpu.memory_space<hbm>> -> memref<4096xf32, #tpu.memory_space<hbm>>
      tpu.enqueue_dma source(%dma_start3A_86 : memref<4096xf32, #tpu.memory_space<hbm>>) target(%dma_start3A_85 : memref<4096xf32, #tpu.memory_space<vmem>>) target_semaphore(%run_scoped3A : memref<!tpu.dma_semaphore, #tpu.memory_space<semaphore_mem>>)
      %dma_wait3A = arith.constant 0 : i32
      %dma_wait3A_87 = tpu.memref_slice %arg7[%dma_wait3A] : memref<12288xf32, #tpu.memory_space<vmem>> -> memref<4096xf32, #tpu.memory_space<vmem>>
      %dma_wait3A_88 = tpu.memref_slice %arg3[%mul3A_38] : memref<98304xf32, #tpu.memory_space<hbm>> -> memref<4096xf32, #tpu.memory_space<hbm>>
      %dma_wait3A_89 = arith.constant 0 : i32
      %dma_wait3A_90 = tpu.memref_slice %arg7[%dma_wait3A_89] : memref<12288xf32, #tpu.memory_space<vmem>> -> memref<4096xf32, #tpu.memory_space<vmem>>
      %dma_wait3A_91 = tpu.memref_slice %arg3[%mul3A_38] : memref<98304xf32, #tpu.memory_space<hbm>> -> memref<4096xf32, #tpu.memory_space<hbm>>
      tpu.wait_dma2 semaphore(%run_scoped3A : memref<!tpu.dma_semaphore, #tpu.memory_space<semaphore_mem>>) src(%dma_wait3A_91 : memref<4096xf32, #tpu.memory_space<hbm>>) dst(%dma_wait3A_90 : memref<4096xf32, #tpu.memory_space<vmem>>)
      tpu.yield
    }) : () -> ()
    %mul3A_39 = arith.constant 3 : i32
    %mul3A_40 = arith.muli %select_n3A, %mul3A_39 : i32
    %add3A_41 = arith.constant 0 : i32
    %add3A_42 = arith.addi %mul3A_40, %add3A_41 : i32
    %mul3A_43 = arith.constant 1024 : i32
    %mul3A_44 = arith.muli %add3A_42, %mul3A_43 : i32
    "tpu.region"() ({
      %run_scoped3A = tpu.sem_alloc : memref<!tpu.dma_semaphore, #tpu.memory_space<semaphore_mem>>
      %dma_start3A = arith.constant 0 : i32
      %dma_start3A_82 = tpu.memref_slice %arg8[%dma_start3A] : memref<3072xf32, #tpu.memory_space<vmem>> -> memref<1024xf32, #tpu.memory_space<vmem>>
      %dma_start3A_83 = tpu.memref_slice %arg2[%mul3A_44] : memref<24576xf32, #tpu.memory_space<hbm>> -> memref<1024xf32, #tpu.memory_space<hbm>>
      %dma_start3A_84 = arith.constant 0 : i32
      %dma_start3A_85 = tpu.memref_slice %arg8[%dma_start3A_84] : memref<3072xf32, #tpu.memory_space<vmem>> -> memref<1024xf32, #tpu.memory_space<vmem>>
      %dma_start3A_86 = tpu.memref_slice %arg2[%mul3A_44] : memref<24576xf32, #tpu.memory_space<hbm>> -> memref<1024xf32, #tpu.memory_space<hbm>>
      tpu.enqueue_dma source(%dma_start3A_86 : memref<1024xf32, #tpu.memory_space<hbm>>) target(%dma_start3A_85 : memref<1024xf32, #tpu.memory_space<vmem>>) target_semaphore(%run_scoped3A : memref<!tpu.dma_semaphore, #tpu.memory_space<semaphore_mem>>)
      %dma_wait3A = arith.constant 0 : i32
      %dma_wait3A_87 = tpu.memref_slice %arg8[%dma_wait3A] : memref<3072xf32, #tpu.memory_space<vmem>> -> memref<1024xf32, #tpu.memory_space<vmem>>
      %dma_wait3A_88 = tpu.memref_slice %arg2[%mul3A_44] : memref<24576xf32, #tpu.memory_space<hbm>> -> memref<1024xf32, #tpu.memory_space<hbm>>
      %dma_wait3A_89 = arith.constant 0 : i32
      %dma_wait3A_90 = tpu.memref_slice %arg8[%dma_wait3A_89] : memref<3072xf32, #tpu.memory_space<vmem>> -> memref<1024xf32, #tpu.memory_space<vmem>>
      %dma_wait3A_91 = tpu.memref_slice %arg2[%mul3A_44] : memref<24576xf32, #tpu.memory_space<hbm>> -> memref<1024xf32, #tpu.memory_space<hbm>>
      tpu.wait_dma2 semaphore(%run_scoped3A : memref<!tpu.dma_semaphore, #tpu.memory_space<semaphore_mem>>) src(%dma_wait3A_91 : memref<1024xf32, #tpu.memory_space<hbm>>) dst(%dma_wait3A_90 : memref<1024xf32, #tpu.memory_space<vmem>>)
      tpu.yield
    }) : () -> ()
    %mul3A_45 = arith.constant 3 : i32
    %mul3A_46 = arith.muli %select_n3A, %mul3A_45 : i32
    %add3A_47 = arith.constant 1 : i32
    %add3A_48 = arith.addi %mul3A_46, %add3A_47 : i32
    %mul3A_49 = arith.constant 4096 : i32
    %mul3A_50 = arith.muli %add3A_48, %mul3A_49 : i32
    "tpu.region"() ({
      %run_scoped3A = tpu.sem_alloc : memref<!tpu.dma_semaphore, #tpu.memory_space<semaphore_mem>>
      %dma_start3A = arith.constant 4096 : i32
      %dma_start3A_82 = tpu.memref_slice %arg7[%dma_start3A] : memref<12288xf32, #tpu.memory_space<vmem>> -> memref<4096xf32, #tpu.memory_space<vmem>>
      %dma_start3A_83 = tpu.memref_slice %arg3[%mul3A_50] : memref<98304xf32, #tpu.memory_space<hbm>> -> memref<4096xf32, #tpu.memory_space<hbm>>
      %dma_start3A_84 = arith.constant 4096 : i32
      %dma_start3A_85 = tpu.memref_slice %arg7[%dma_start3A_84] : memref<12288xf32, #tpu.memory_space<vmem>> -> memref<4096xf32, #tpu.memory_space<vmem>>
      %dma_start3A_86 = tpu.memref_slice %arg3[%mul3A_50] : memref<98304xf32, #tpu.memory_space<hbm>> -> memref<4096xf32, #tpu.memory_space<hbm>>
      tpu.enqueue_dma source(%dma_start3A_86 : memref<4096xf32, #tpu.memory_space<hbm>>) target(%dma_start3A_85 : memref<4096xf32, #tpu.memory_space<vmem>>) target_semaphore(%run_scoped3A : memref<!tpu.dma_semaphore, #tpu.memory_space<semaphore_mem>>)
      %dma_wait3A = arith.constant 4096 : i32
      %dma_wait3A_87 = tpu.memref_slice %arg7[%dma_wait3A] : memref<12288xf32, #tpu.memory_space<vmem>> -> memref<4096xf32, #tpu.memory_space<vmem>>
      %dma_wait3A_88 = tpu.memref_slice %arg3[%mul3A_50] : memref<98304xf32, #tpu.memory_space<hbm>> -> memref<4096xf32, #tpu.memory_space<hbm>>
      %dma_wait3A_89 = arith.constant 4096 : i32
      %dma_wait3A_90 = tpu.memref_slice %arg7[%dma_wait3A_89] : memref<12288xf32, #tpu.memory_space<vmem>> -> memref<4096xf32, #tpu.memory_space<vmem>>
      %dma_wait3A_91 = tpu.memref_slice %arg3[%mul3A_50] : memref<98304xf32, #tpu.memory_space<hbm>> -> memref<4096xf32, #tpu.memory_space<hbm>>
      tpu.wait_dma2 semaphore(%run_scoped3A : memref<!tpu.dma_semaphore, #tpu.memory_space<semaphore_mem>>) src(%dma_wait3A_91 : memref<4096xf32, #tpu.memory_space<hbm>>) dst(%dma_wait3A_90 : memref<4096xf32, #tpu.memory_space<vmem>>)
      tpu.yield
    }) : () -> ()
    %mul3A_51 = arith.constant 3 : i32
    %mul3A_52 = arith.muli %select_n3A, %mul3A_51 : i32
    %add3A_53 = arith.constant 1 : i32
    %add3A_54 = arith.addi %mul3A_52, %add3A_53 : i32
    %mul3A_55 = arith.constant 1024 : i32
    %mul3A_56 = arith.muli %add3A_54, %mul3A_55 : i32
    "tpu.region"() ({
      %run_scoped3A = tpu.sem_alloc : memref<!tpu.dma_semaphore, #tpu.memory_space<semaphore_mem>>
      %dma_start3A = arith.constant 1024 : i32
      %dma_start3A_82 = tpu.memref_slice %arg8[%dma_start3A] : memref<3072xf32, #tpu.memory_space<vmem>> -> memref<1024xf32, #tpu.memory_space<vmem>>
      %dma_start3A_83 = tpu.memref_slice %arg2[%mul3A_56] : memref<24576xf32, #tpu.memory_space<hbm>> -> memref<1024xf32, #tpu.memory_space<hbm>>
      %dma_start3A_84 = arith.constant 1024 : i32
      %dma_start3A_85 = tpu.memref_slice %arg8[%dma_start3A_84] : memref<3072xf32, #tpu.memory_space<vmem>> -> memref<1024xf32, #tpu.memory_space<vmem>>
      %dma_start3A_86 = tpu.memref_slice %arg2[%mul3A_56] : memref<24576xf32, #tpu.memory_space<hbm>> -> memref<1024xf32, #tpu.memory_space<hbm>>
      tpu.enqueue_dma source(%dma_start3A_86 : memref<1024xf32, #tpu.memory_space<hbm>>) target(%dma_start3A_85 : memref<1024xf32, #tpu.memory_space<vmem>>) target_semaphore(%run_scoped3A : memref<!tpu.dma_semaphore, #tpu.memory_space<semaphore_mem>>)
      %dma_wait3A = arith.constant 1024 : i32
      %dma_wait3A_87 = tpu.memref_slice %arg8[%dma_wait3A] : memref<3072xf32, #tpu.memory_space<vmem>> -> memref<1024xf32, #tpu.memory_space<vmem>>
      %dma_wait3A_88 = tpu.memref_slice %arg2[%mul3A_56] : memref<24576xf32, #tpu.memory_space<hbm>> -> memref<1024xf32, #tpu.memory_space<hbm>>
      %dma_wait3A_89 = arith.constant 1024 : i32
      %dma_wait3A_90 = tpu.memref_slice %arg8[%dma_wait3A_89] : memref<3072xf32, #tpu.memory_space<vmem>> -> memref<1024xf32, #tpu.memory_space<vmem>>
      %dma_wait3A_91 = tpu.memref_slice %arg2[%mul3A_56] : memref<24576xf32, #tpu.memory_space<hbm>> -> memref<1024xf32, #tpu.memory_space<hbm>>
      tpu.wait_dma2 semaphore(%run_scoped3A : memref<!tpu.dma_semaphore, #tpu.memory_space<semaphore_mem>>) src(%dma_wait3A_91 : memref<1024xf32, #tpu.memory_space<hbm>>) dst(%dma_wait3A_90 : memref<1024xf32, #tpu.memory_space<vmem>>)
      tpu.yield
    }) : () -> ()
    %mul3A_57 = arith.constant 3 : i32
    %mul3A_58 = arith.muli %select_n3A, %mul3A_57 : i32
    %add3A_59 = arith.constant 2 : i32
    %add3A_60 = arith.addi %mul3A_58, %add3A_59 : i32
    %mul3A_61 = arith.constant 4096 : i32
    %mul3A_62 = arith.muli %add3A_60, %mul3A_61 : i32
    "tpu.region"() ({
      %run_scoped3A = tpu.sem_alloc : memref<!tpu.dma_semaphore, #tpu.memory_space<semaphore_mem>>
      %dma_start3A = arith.constant 8192 : i32
      %dma_start3A_82 = tpu.memref_slice %arg7[%dma_start3A] : memref<12288xf32, #tpu.memory_space<vmem>> -> memref<4096xf32, #tpu.memory_space<vmem>>
      %dma_start3A_83 = tpu.memref_slice %arg3[%mul3A_62] : memref<98304xf32, #tpu.memory_space<hbm>> -> memref<4096xf32, #tpu.memory_space<hbm>>
      %dma_start3A_84 = arith.constant 8192 : i32
      %dma_start3A_85 = tpu.memref_slice %arg7[%dma_start3A_84] : memref<12288xf32, #tpu.memory_space<vmem>> -> memref<4096xf32, #tpu.memory_space<vmem>>
      %dma_start3A_86 = tpu.memref_slice %arg3[%mul3A_62] : memref<98304xf32, #tpu.memory_space<hbm>> -> memref<4096xf32, #tpu.memory_space<hbm>>
      tpu.enqueue_dma source(%dma_start3A_86 : memref<4096xf32, #tpu.memory_space<hbm>>) target(%dma_start3A_85 : memref<4096xf32, #tpu.memory_space<vmem>>) target_semaphore(%run_scoped3A : memref<!tpu.dma_semaphore, #tpu.memory_space<semaphore_mem>>)
      %dma_wait3A = arith.constant 8192 : i32
      %dma_wait3A_87 = tpu.memref_slice %arg7[%dma_wait3A] : memref<12288xf32, #tpu.memory_space<vmem>> -> memref<4096xf32, #tpu.memory_space<vmem>>
      %dma_wait3A_88 = tpu.memref_slice %arg3[%mul3A_62] : memref<98304xf32, #tpu.memory_space<hbm>> -> memref<4096xf32, #tpu.memory_space<hbm>>
      %dma_wait3A_89 = arith.constant 8192 : i32
      %dma_wait3A_90 = tpu.memref_slice %arg7[%dma_wait3A_89] : memref<12288xf32, #tpu.memory_space<vmem>> -> memref<4096xf32, #tpu.memory_space<vmem>>
      %dma_wait3A_91 = tpu.memref_slice %arg3[%mul3A_62] : memref<98304xf32, #tpu.memory_space<hbm>> -> memref<4096xf32, #tpu.memory_space<hbm>>
      tpu.wait_dma2 semaphore(%run_scoped3A : memref<!tpu.dma_semaphore, #tpu.memory_space<semaphore_mem>>) src(%dma_wait3A_91 : memref<4096xf32, #tpu.memory_space<hbm>>) dst(%dma_wait3A_90 : memref<4096xf32, #tpu.memory_space<vmem>>)
      tpu.yield
    }) : () -> ()
    %mul3A_63 = arith.constant 3 : i32
    %mul3A_64 = arith.muli %select_n3A, %mul3A_63 : i32
    %add3A_65 = arith.constant 2 : i32
    %add3A_66 = arith.addi %mul3A_64, %add3A_65 : i32
    %mul3A_67 = arith.constant 1024 : i32
    %mul3A_68 = arith.muli %add3A_66, %mul3A_67 : i32
    "tpu.region"() ({
      %run_scoped3A = tpu.sem_alloc : memref<!tpu.dma_semaphore, #tpu.memory_space<semaphore_mem>>
      %dma_start3A = arith.constant 2048 : i32
      %dma_start3A_82 = tpu.memref_slice %arg8[%dma_start3A] : memref<3072xf32, #tpu.memory_space<vmem>> -> memref<1024xf32, #tpu.memory_space<vmem>>
      %dma_start3A_83 = tpu.memref_slice %arg2[%mul3A_68] : memref<24576xf32, #tpu.memory_space<hbm>> -> memref<1024xf32, #tpu.memory_space<hbm>>
      %dma_start3A_84 = arith.constant 2048 : i32
      %dma_start3A_85 = tpu.memref_slice %arg8[%dma_start3A_84] : memref<3072xf32, #tpu.memory_space<vmem>> -> memref<1024xf32, #tpu.memory_space<vmem>>
      %dma_start3A_86 = tpu.memref_slice %arg2[%mul3A_68] : memref<24576xf32, #tpu.memory_space<hbm>> -> memref<1024xf32, #tpu.memory_space<hbm>>
      tpu.enqueue_dma source(%dma_start3A_86 : memref<1024xf32, #tpu.memory_space<hbm>>) target(%dma_start3A_85 : memref<1024xf32, #tpu.memory_space<vmem>>) target_semaphore(%run_scoped3A : memref<!tpu.dma_semaphore, #tpu.memory_space<semaphore_mem>>)
      %dma_wait3A = arith.constant 2048 : i32
      %dma_wait3A_87 = tpu.memref_slice %arg8[%dma_wait3A] : memref<3072xf32, #tpu.memory_space<vmem>> -> memref<1024xf32, #tpu.memory_space<vmem>>
      %dma_wait3A_88 = tpu.memref_slice %arg2[%mul3A_68] : memref<24576xf32, #tpu.memory_space<hbm>> -> memref<1024xf32, #tpu.memory_space<hbm>>
      %dma_wait3A_89 = arith.constant 2048 : i32
      %dma_wait3A_90 = tpu.memref_slice %arg8[%dma_wait3A_89] : memref<3072xf32, #tpu.memory_space<vmem>> -> memref<1024xf32, #tpu.memory_space<vmem>>
      %dma_wait3A_91 = tpu.memref_slice %arg2[%mul3A_68] : memref<24576xf32, #tpu.memory_space<hbm>> -> memref<1024xf32, #tpu.memory_space<hbm>>
      tpu.wait_dma2 semaphore(%run_scoped3A : memref<!tpu.dma_semaphore, #tpu.memory_space<semaphore_mem>>) src(%dma_wait3A_91 : memref<1024xf32, #tpu.memory_space<hbm>>) dst(%dma_wait3A_90 : memref<1024xf32, #tpu.memory_space<vmem>>)
      tpu.yield
    }) : () -> ()
    %mul3A_69 = arith.constant 1024 : i32
    %mul3A_70 = arith.muli %select_n3A, %mul3A_69 : i32
    "tpu.region"() ({
      %run_scoped3A = tpu.sem_alloc : memref<!tpu.dma_semaphore, #tpu.memory_space<semaphore_mem>>
      %dma_start3A = tpu.memref_slice %arg4[%mul3A_70] : memref<8192xf32, #tpu.memory_space<hbm>> -> memref<1024xf32, #tpu.memory_space<hbm>>
      %dma_start3A_82 = tpu.memref_slice %arg4[%mul3A_70] : memref<8192xf32, #tpu.memory_space<hbm>> -> memref<1024xf32, #tpu.memory_space<hbm>>
      tpu.enqueue_dma source(%dma_start3A_82 : memref<1024xf32, #tpu.memory_space<hbm>>) target(%arg9 : memref<1024xf32, #tpu.memory_space<vmem>>) target_semaphore(%run_scoped3A : memref<!tpu.dma_semaphore, #tpu.memory_space<semaphore_mem>>)
      %dma_wait3A = tpu.memref_slice %arg4[%mul3A_70] : memref<8192xf32, #tpu.memory_space<hbm>> -> memref<1024xf32, #tpu.memory_space<hbm>>
      %dma_wait3A_83 = tpu.memref_slice %arg4[%mul3A_70] : memref<8192xf32, #tpu.memory_space<hbm>> -> memref<1024xf32, #tpu.memory_space<hbm>>
      tpu.wait_dma2 semaphore(%run_scoped3A : memref<!tpu.dma_semaphore, #tpu.memory_space<semaphore_mem>>) src(%dma_wait3A_83 : memref<1024xf32, #tpu.memory_space<hbm>>) dst(%arg9 : memref<1024xf32, #tpu.memory_space<vmem>>)
      tpu.yield
    }) : () -> ()
    %mul3A_71 = arith.constant 4096 : i32
    %mul3A_72 = arith.muli %select_n3A, %mul3A_71 : i32
    "tpu.region"() ({
      %run_scoped3A = tpu.sem_alloc : memref<!tpu.dma_semaphore, #tpu.memory_space<semaphore_mem>>
      %dma_start3A = tpu.memref_slice %arg5[%mul3A_72] : memref<32768xf32, #tpu.memory_space<hbm>> -> memref<4096xf32, #tpu.memory_space<hbm>>
      %dma_start3A_82 = tpu.memref_slice %arg5[%mul3A_72] : memref<32768xf32, #tpu.memory_space<hbm>> -> memref<4096xf32, #tpu.memory_space<hbm>>
      tpu.enqueue_dma source(%dma_start3A_82 : memref<4096xf32, #tpu.memory_space<hbm>>) target(%arg10 : memref<4096xf32, #tpu.memory_space<vmem>>) target_semaphore(%run_scoped3A : memref<!tpu.dma_semaphore, #tpu.memory_space<semaphore_mem>>)
      %dma_wait3A = tpu.memref_slice %arg5[%mul3A_72] : memref<32768xf32, #tpu.memory_space<hbm>> -> memref<4096xf32, #tpu.memory_space<hbm>>
      %dma_wait3A_83 = tpu.memref_slice %arg5[%mul3A_72] : memref<32768xf32, #tpu.memory_space<hbm>> -> memref<4096xf32, #tpu.memory_space<hbm>>
      tpu.wait_dma2 semaphore(%run_scoped3A : memref<!tpu.dma_semaphore, #tpu.memory_space<semaphore_mem>>) src(%dma_wait3A_83 : memref<4096xf32, #tpu.memory_space<hbm>>) dst(%arg10 : memref<4096xf32, #tpu.memory_space<vmem>>)
      tpu.yield
    }) : () -> ()
    %iota3A = tpu.iota {dimensions = array<i32: 0>} : vector<16xi32>
    %scan3A = arith.constant 0 : i32
    %scan3A_73 = arith.constant 0 : i32
    %scan3A_74 = arith.constant 256 : i32
    %scan3A_75 = arith.addi %scan3A_73, %scan3A_74 : i32
    %scan3A_76 = arith.constant 1 : i32
    scf.for %scan3A_82 = %scan3A_73 to %scan3A_75 step %scan3A_76  : i32 {
      %add3A_83 = arith.addi %mul3A_32, %scan3A_82 : i32
      %broadcast_in_dim3A = vector.broadcast %add3A_83 : i32 to vector<16xi32>
      %gather3A = tpu.vector_load_idx %arg8[%broadcast_in_dim3A] : memref<3072xf32, #tpu.memory_space<vmem>>[vector<16xi32>], vector<16xf32>,
      %add3A_84 = arith.constant 1024 : i32
      %add3A_85 = arith.addi %add3A_84, %add3A_83 : i32
      %broadcast_in_dim3A_86 = vector.broadcast %add3A_85 : i32 to vector<16xi32>
      %gather3A_87 = tpu.vector_load_idx %arg8[%broadcast_in_dim3A_86] : memref<3072xf32, #tpu.memory_space<vmem>>[vector<16xi32>], vector<16xf32>,
      %add3A_88 = arith.constant 2048 : i32
      %add3A_89 = arith.addi %add3A_88, %add3A_83 : i32
      %broadcast_in_dim3A_90 = vector.broadcast %add3A_89 : i32 to vector<16xi32>
      %gather3A_91 = tpu.vector_load_idx %arg8[%broadcast_in_dim3A_90] : memref<3072xf32, #tpu.memory_space<vmem>>[vector<16xi32>], vector<16xf32>,
      %broadcast_in_dim3A_92 = vector.broadcast %add3A_83 : i32 to vector<16xi32>
      %gather3A_93 = tpu.vector_load_idx %arg9[%broadcast_in_dim3A_92] : memref<1024xf32, #tpu.memory_space<vmem>>[vector<16xi32>], vector<16xf32>,
      %scan3A_94 = arith.constant 0 : i32
      %scan3A_95 = arith.constant 0 : i32
      %scan3A_96 = arith.constant 0 : i32
      %scan3A_97 = arith.constant 256 : i32
      %scan3A_98 = arith.addi %scan3A_96, %scan3A_97 : i32
      %scan3A_99 = arith.constant 4 : i32
      %scan3A_100:2 = scf.for %scan3A_120 = %scan3A_96 to %scan3A_98 step %scan3A_99 iter_args(%scan3A_121 = %scan3A_94, %scan3A_122 = %scan3A_95) -> (i32, i32)  : i32 {
        %mul3A_123 = arith.constant 16 : i32
        %mul3A_124 = arith.muli %scan3A_120, %mul3A_123 : i32
        %get3A = arith.index_cast %mul3A_124 : i32 to index
        %get3A_125 = tpu.vector_load %arg7[%get3A] {strides = array<i32>} : memref<12288xf32, #tpu.memory_space<vmem>>, vector<16xf32>,
        %add3A_126 = arith.constant 4096 : i32
        %add3A_127 = arith.addi %add3A_126, %mul3A_124 : i32
        %get3A_128 = arith.index_cast %add3A_127 : i32 to index
        %get3A_129 = tpu.vector_load %arg7[%get3A_128] {strides = array<i32>} : memref<12288xf32, #tpu.memory_space<vmem>>, vector<16xf32>,
        %add3A_130 = arith.constant 8192 : i32
        %add3A_131 = arith.addi %add3A_130, %mul3A_124 : i32
        %get3A_132 = arith.index_cast %add3A_131 : i32 to index
        %get3A_133 = tpu.vector_load %arg7[%get3A_132] {strides = array<i32>} : memref<12288xf32, #tpu.memory_space<vmem>>, vector<16xf32>,
        %get3A_134 = arith.index_cast %mul3A_124 : i32 to index
        %get3A_135 = tpu.vector_load %arg10[%get3A_134] {strides = array<i32>} : memref<4096xf32, #tpu.memory_space<vmem>>, vector<16xf32>,
        %mul3A_136 = arith.mulf %gather3A, %get3A_125 : vector<16xf32>
        %mul3A_137 = arith.mulf %gather3A_87, %get3A_129 : vector<16xf32>
        %add3A_138 = arith.addf %mul3A_136, %mul3A_137 : vector<16xf32>
        %mul3A_139 = arith.mulf %gather3A_91, %get3A_133 : vector<16xf32>
        %add3A_140 = arith.addf %add3A_138, %mul3A_139 : vector<16xf32>
        %add3A_141 = arith.addf %gather3A_93, %get3A_135 : vector<16xf32>
        %add3A_142 = arith.addf %add3A_141, %add3A_140 : vector<16xf32>
        %lt3A_143 = arith.constant 1.440000e-02 : f32
        %lt3A_144 = vector.broadcast %lt3A_143 : f32 to vector<16xf32>
        %lt3A_145 = arith.cmpf olt, %add3A_142, %lt3A_144 : vector<16xf32>
        %convert_element_type3A = arith.extui %lt3A_145 : vector<16xi1> to vector<16xi32>
        %broadcast_in_dim3A_146 = arith.constant true
        %broadcast_in_dim3A_147 = vector.broadcast %broadcast_in_dim3A_146 : i1 to vector<16xi1>
        %masked_cumsum3A = tpu.scan <sum>, %convert_element_type3A masked %broadcast_in_dim3A_147 : vector<16xi32>, vector<16xi1> -> vector<16xi32>
        %sub3A_148 = arith.constant 1 : i32
        %sub3A_149 = arith.subi %scan3A_121, %sub3A_148 : i32
        %add3A_150 = vector.broadcast %sub3A_149 : i32 to vector<16xi32>
        %add3A_151 = arith.addi %masked_cumsum3A, %add3A_150 : vector<16xi32>
        %lt3A_152 = arith.constant 32 : i32
        %lt3A_153 = vector.broadcast %lt3A_152 : i32 to vector<16xi32>
        %lt3A_154 = arith.cmpi slt, %add3A_151, %lt3A_153 : vector<16xi32>
        %and3A_155 = arith.andi %lt3A_145, %lt3A_154 : vector<16xi1>
        %jit3A_156 = arith.constant 0 : i32
        %jit3A_157 = arith.constant 31 : i32
        %max3A = vector.broadcast %jit3A_156 : i32 to vector<16xi32>
        %max3A_158 = arith.maxsi %max3A, %add3A_151 : vector<16xi32>
        %min3A_159 = vector.broadcast %jit3A_157 : i32 to vector<16xi32>
        %min3A_160 = arith.minsi %min3A_159, %max3A_158 : vector<16xi32>
        %mul3A_161 = arith.constant 32 : i32
        %mul3A_162 = arith.muli %scan3A_82, %mul3A_161 : i32
        %add3A_163 = vector.broadcast %mul3A_162 : i32 to vector<16xi32>
        %add3A_164 = arith.addi %min3A_160, %add3A_163 : vector<16xi32>
        %add3A_165 = vector.broadcast %mul3A_124 : i32 to vector<16xi32>
        %add3A_166 = arith.addi %iota3A, %add3A_165 : vector<16xi32>
        tpu.vector_store_idx %arg11[%add3A_164], %add3A_166 masked %and3A_155 : memref<8192xi32, #tpu.memory_space<vmem>>[vector<16xi32>], vector<16xi32>, vector<16xi1>
        %slice3A = vector.extract_strided_slice %masked_cumsum3A {offsets = [15], sizes = [1], strides = [1]} : vector<16xi32> to vector<1xi32>
        %squeeze3A = vector.extract %slice3A[0] : i32 from vector<1xi32>
        %add3A_167 = vector.broadcast %mul3A_124 : i32 to vector<16xi32>
        %add3A_168 = arith.addi %iota3A, %add3A_167 : vector<16xi32>
        %jit3A_169 = arith.constant 4096 : i32
        %broadcast_in_dim3A_170 = vector.broadcast %jit3A_169 : i32 to vector<16xi32>
        %select_n3A_171 = arith.select %lt3A_145, %add3A_168, %broadcast_in_dim3A_170 : vector<16xi1>, vector<16xi32>
        %reduce_min3A = arith.constant true
        %reduce_min3A_172 = vector.broadcast %reduce_min3A : i1 to vector<16xi1>
        %reduce_min3A_173 = arith.constant -2147483648 : i32
        %reduce_min3A_174 = vector.broadcast %reduce_min3A_173 : i32 to vector<16xi32>
        %reduce_min3A_175 = arith.xori %select_n3A_171, %reduce_min3A_174 : vector<16xi32>
        %reduce_min3A_176 = tpu.scan <min>, %reduce_min3A_175 masked %reduce_min3A_172 : vector<16xi32>, vector<16xi1> -> vector<16xi32>
        %reduce_min3A_177 = arith.xori %reduce_min3A_176, %reduce_min3A_174 : vector<16xi32>
        %reduce_min3A_178 = vector.extract %reduce_min3A_177[15] : i32 from vector<16xi32>
        %eq3A_179 = arith.constant 0 : i32
        %eq3A_180 = arith.cmpi eq, %scan3A_121, %eq3A_179 : i32
        %gt3A = arith.constant 0 : i32
        %gt3A_181 = arith.cmpi sgt, %squeeze3A, %gt3A : i32
        %and3A_182 = arith.andi %eq3A_180, %gt3A_181 : i1
        %select_n3A_183 = arith.select %and3A_182, %reduce_min3A_178, %scan3A_122 : i32
        %add3A_184 = arith.addi %scan3A_121, %squeeze3A : i32
        %scan3A_185 = arith.constant 1 : i32
        %scan3A_186 = arith.addi %scan3A_120, %scan3A_185 : i32
        %mul3A_187 = arith.constant 16 : i32
        %mul3A_188 = arith.muli %scan3A_186, %mul3A_187 : i32
        %get3A_189 = arith.index_cast %mul3A_188 : i32 to index
        %get3A_190 = tpu.vector_load %arg7[%get3A_189] {strides = array<i32>} : memref<12288xf32, #tpu.memory_space<vmem>>, vector<16xf32>,
        %add3A_191 = arith.constant 4096 : i32
        %add3A_192 = arith.addi %add3A_191, %mul3A_188 : i32
        %get3A_193 = arith.index_cast %add3A_192 : i32 to index
        %get3A_194 = tpu.vector_load %arg7[%get3A_193] {strides = array<i32>} : memref<12288xf32, #tpu.memory_space<vmem>>, vector<16xf32>,
        %add3A_195 = arith.constant 8192 : i32
        %add3A_196 = arith.addi %add3A_195, %mul3A_188 : i32
        %get3A_197 = arith.index_cast %add3A_196 : i32 to index
        %get3A_198 = tpu.vector_load %arg7[%get3A_197] {strides = array<i32>} : memref<12288xf32, #tpu.memory_space<vmem>>, vector<16xf32>,
        %get3A_199 = arith.index_cast %mul3A_188 : i32 to index
        %get3A_200 = tpu.vector_load %arg10[%get3A_199] {strides = array<i32>} : memref<4096xf32, #tpu.memory_space<vmem>>, vector<16xf32>,
        %mul3A_201 = arith.mulf %gather3A, %get3A_190 : vector<16xf32>
        %mul3A_202 = arith.mulf %gather3A_87, %get3A_194 : vector<16xf32>
        %add3A_203 = arith.addf %mul3A_201, %mul3A_202 : vector<16xf32>
        %mul3A_204 = arith.mulf %gather3A_91, %get3A_198 : vector<16xf32>
        %add3A_205 = arith.addf %add3A_203, %mul3A_204 : vector<16xf32>
        %add3A_206 = arith.addf %gather3A_93, %get3A_200 : vector<16xf32>
        %add3A_207 = arith.addf %add3A_206, %add3A_205 : vector<16xf32>
        %lt3A_208 = arith.constant 1.440000e-02 : f32
        %lt3A_209 = vector.broadcast %lt3A_208 : f32 to vector<16xf32>
        %lt3A_210 = arith.cmpf olt, %add3A_207, %lt3A_209 : vector<16xf32>
        %convert_element_type3A_211 = arith.extui %lt3A_210 : vector<16xi1> to vector<16xi32>
        %broadcast_in_dim3A_212 = arith.constant true
        %broadcast_in_dim3A_213 = vector.broadcast %broadcast_in_dim3A_212 : i1 to vector<16xi1>
        %masked_cumsum3A_214 = tpu.scan <sum>, %convert_element_type3A_211 masked %broadcast_in_dim3A_213 : vector<16xi32>, vector<16xi1> -> vector<16xi32>
        %sub3A_215 = arith.constant 1 : i32
        %sub3A_216 = arith.subi %add3A_184, %sub3A_215 : i32
        %add3A_217 = vector.broadcast %sub3A_216 : i32 to vector<16xi32>
        %add3A_218 = arith.addi %masked_cumsum3A_214, %add3A_217 : vector<16xi32>
        %lt3A_219 = arith.constant 32 : i32
        %lt3A_220 = vector.broadcast %lt3A_219 : i32 to vector<16xi32>
        %lt3A_221 = arith.cmpi slt, %add3A_218, %lt3A_220 : vector<16xi32>
        %and3A_222 = arith.andi %lt3A_210, %lt3A_221 : vector<16xi1>
        %jit3A_223 = arith.constant 0 : i32
        %jit3A_224 = arith.constant 31 : i32
        %max3A_225 = vector.broadcast %jit3A_223 : i32 to vector<16xi32>
        %max3A_226 = arith.maxsi %max3A_225, %add3A_218 : vector<16xi32>
        %min3A_227 = vector.broadcast %jit3A_224 : i32 to vector<16xi32>
        %min3A_228 = arith.minsi %min3A_227, %max3A_226 : vector<16xi32>
        %mul3A_229 = arith.constant 32 : i32
        %mul3A_230 = arith.muli %scan3A_82, %mul3A_229 : i32
        %add3A_231 = vector.broadcast %mul3A_230 : i32 to vector<16xi32>
        %add3A_232 = arith.addi %min3A_228, %add3A_231 : vector<16xi32>
        %add3A_233 = vector.broadcast %mul3A_188 : i32 to vector<16xi32>
        %add3A_234 = arith.addi %iota3A, %add3A_233 : vector<16xi32>
        tpu.vector_store_idx %arg11[%add3A_232], %add3A_234 masked %and3A_222 : memref<8192xi32, #tpu.memory_space<vmem>>[vector<16xi32>], vector<16xi32>, vector<16xi1>
        %slice3A_235 = vector.extract_strided_slice %masked_cumsum3A_214 {offsets = [15], sizes = [1], strides = [1]} : vector<16xi32> to vector<1xi32>
        %squeeze3A_236 = vector.extract %slice3A_235[0] : i32 from vector<1xi32>
        %add3A_237 = vector.broadcast %mul3A_188 : i32 to vector<16xi32>
        %add3A_238 = arith.addi %iota3A, %add3A_237 : vector<16xi32>
        %jit3A_239 = arith.constant 4096 : i32
        %broadcast_in_dim3A_240 = vector.broadcast %jit3A_239 : i32 to vector<16xi32>
        %select_n3A_241 = arith.select %lt3A_210, %add3A_238, %broadcast_in_dim3A_240 : vector<16xi1>, vector<16xi32>
        %reduce_min3A_242 = arith.constant true
        %reduce_min3A_243 = vector.broadcast %reduce_min3A_242 : i1 to vector<16xi1>
        %reduce_min3A_244 = arith.constant -2147483648 : i32
        %reduce_min3A_245 = vector.broadcast %reduce_min3A_244 : i32 to vector<16xi32>
        %reduce_min3A_246 = arith.xori %select_n3A_241, %reduce_min3A_245 : vector<16xi32>
        %reduce_min3A_247 = tpu.scan <min>, %reduce_min3A_246 masked %reduce_min3A_243 : vector<16xi32>, vector<16xi1> -> vector<16xi32>
        %reduce_min3A_248 = arith.xori %reduce_min3A_247, %reduce_min3A_245 : vector<16xi32>
        %reduce_min3A_249 = vector.extract %reduce_min3A_248[15] : i32 from vector<16xi32>
        %eq3A_250 = arith.constant 0 : i32
        %eq3A_251 = arith.cmpi eq, %add3A_184, %eq3A_250 : i32
        %gt3A_252 = arith.constant 0 : i32
        %gt3A_253 = arith.cmpi sgt, %squeeze3A_236, %gt3A_252 : i32
        %and3A_254 = arith.andi %eq3A_251, %gt3A_253 : i1
        %select_n3A_255 = arith.select %and3A_254, %reduce_min3A_249, %select_n3A_183 : i32
        %add3A_256 = arith.addi %add3A_184, %squeeze3A_236 : i32
        %scan3A_257 = arith.constant 2 : i32
        %scan3A_258 = arith.addi %scan3A_120, %scan3A_257 : i32
        %mul3A_259 = arith.constant 16 : i32
        %mul3A_260 = arith.muli %scan3A_258, %mul3A_259 : i32
        %get3A_261 = arith.index_cast %mul3A_260 : i32 to index
        %get3A_262 = tpu.vector_load %arg7[%get3A_261] {strides = array<i32>} : memref<12288xf32, #tpu.memory_space<vmem>>, vector<16xf32>,
        %add3A_263 = arith.constant 4096 : i32
        %add3A_264 = arith.addi %add3A_263, %mul3A_260 : i32
        %get3A_265 = arith.index_cast %add3A_264 : i32 to index
        %get3A_266 = tpu.vector_load %arg7[%get3A_265] {strides = array<i32>} : memref<12288xf32, #tpu.memory_space<vmem>>, vector<16xf32>,
        %add3A_267 = arith.constant 8192 : i32
        %add3A_268 = arith.addi %add3A_267, %mul3A_260 : i32
        %get3A_269 = arith.index_cast %add3A_268 : i32 to index
        %get3A_270 = tpu.vector_load %arg7[%get3A_269] {strides = array<i32>} : memref<12288xf32, #tpu.memory_space<vmem>>, vector<16xf32>,
        %get3A_271 = arith.index_cast %mul3A_260 : i32 to index
        %get3A_272 = tpu.vector_load %arg10[%get3A_271] {strides = array<i32>} : memref<4096xf32, #tpu.memory_space<vmem>>, vector<16xf32>,
        %mul3A_273 = arith.mulf %gather3A, %get3A_262 : vector<16xf32>
        %mul3A_274 = arith.mulf %gather3A_87, %get3A_266 : vector<16xf32>
        %add3A_275 = arith.addf %mul3A_273, %mul3A_274 : vector<16xf32>
        %mul3A_276 = arith.mulf %gather3A_91, %get3A_270 : vector<16xf32>
        %add3A_277 = arith.addf %add3A_275, %mul3A_276 : vector<16xf32>
        %add3A_278 = arith.addf %gather3A_93, %get3A_272 : vector<16xf32>
        %add3A_279 = arith.addf %add3A_278, %add3A_277 : vector<16xf32>
        %lt3A_280 = arith.constant 1.440000e-02 : f32
        %lt3A_281 = vector.broadcast %lt3A_280 : f32 to vector<16xf32>
        %lt3A_282 = arith.cmpf olt, %add3A_279, %lt3A_281 : vector<16xf32>
        %convert_element_type3A_283 = arith.extui %lt3A_282 : vector<16xi1> to vector<16xi32>
        %broadcast_in_dim3A_284 = arith.constant true
        %broadcast_in_dim3A_285 = vector.broadcast %broadcast_in_dim3A_284 : i1 to vector<16xi1>
        %masked_cumsum3A_286 = tpu.scan <sum>, %convert_element_type3A_283 masked %broadcast_in_dim3A_285 : vector<16xi32>, vector<16xi1> -> vector<16xi32>
        %sub3A_287 = arith.constant 1 : i32
        %sub3A_288 = arith.subi %add3A_256, %sub3A_287 : i32
        %add3A_289 = vector.broadcast %sub3A_288 : i32 to vector<16xi32>
        %add3A_290 = arith.addi %masked_cumsum3A_286, %add3A_289 : vector<16xi32>
        %lt3A_291 = arith.constant 32 : i32
        %lt3A_292 = vector.broadcast %lt3A_291 : i32 to vector<16xi32>
        %lt3A_293 = arith.cmpi slt, %add3A_290, %lt3A_292 : vector<16xi32>
        %and3A_294 = arith.andi %lt3A_282, %lt3A_293 : vector<16xi1>
        %jit3A_295 = arith.constant 0 : i32
        %jit3A_296 = arith.constant 31 : i32
        %max3A_297 = vector.broadcast %jit3A_295 : i32 to vector<16xi32>
        %max3A_298 = arith.maxsi %max3A_297, %add3A_290 : vector<16xi32>
        %min3A_299 = vector.broadcast %jit3A_296 : i32 to vector<16xi32>
        %min3A_300 = arith.minsi %min3A_299, %max3A_298 : vector<16xi32>
        %mul3A_301 = arith.constant 32 : i32
        %mul3A_302 = arith.muli %scan3A_82, %mul3A_301 : i32
        %add3A_303 = vector.broadcast %mul3A_302 : i32 to vector<16xi32>
        %add3A_304 = arith.addi %min3A_300, %add3A_303 : vector<16xi32>
        %add3A_305 = vector.broadcast %mul3A_260 : i32 to vector<16xi32>
        %add3A_306 = arith.addi %iota3A, %add3A_305 : vector<16xi32>
        tpu.vector_store_idx %arg11[%add3A_304], %add3A_306 masked %and3A_294 : memref<8192xi32, #tpu.memory_space<vmem>>[vector<16xi32>], vector<16xi32>, vector<16xi1>
        %slice3A_307 = vector.extract_strided_slice %masked_cumsum3A_286 {offsets = [15], sizes = [1], strides = [1]} : vector<16xi32> to vector<1xi32>
        %squeeze3A_308 = vector.extract %slice3A_307[0] : i32 from vector<1xi32>
        %add3A_309 = vector.broadcast %mul3A_260 : i32 to vector<16xi32>
        %add3A_310 = arith.addi %iota3A, %add3A_309 : vector<16xi32>
        %jit3A_311 = arith.constant 4096 : i32
        %broadcast_in_dim3A_312 = vector.broadcast %jit3A_311 : i32 to vector<16xi32>
        %select_n3A_313 = arith.select %lt3A_282, %add3A_310, %broadcast_in_dim3A_312 : vector<16xi1>, vector<16xi32>
        %reduce_min3A_314 = arith.constant true
        %reduce_min3A_315 = vector.broadcast %reduce_min3A_314 : i1 to vector<16xi1>
        %reduce_min3A_316 = arith.constant -2147483648 : i32
        %reduce_min3A_317 = vector.broadcast %reduce_min3A_316 : i32 to vector<16xi32>
        %reduce_min3A_318 = arith.xori %select_n3A_313, %reduce_min3A_317 : vector<16xi32>
        %reduce_min3A_319 = tpu.scan <min>, %reduce_min3A_318 masked %reduce_min3A_315 : vector<16xi32>, vector<16xi1> -> vector<16xi32>
        %reduce_min3A_320 = arith.xori %reduce_min3A_319, %reduce_min3A_317 : vector<16xi32>
        %reduce_min3A_321 = vector.extract %reduce_min3A_320[15] : i32 from vector<16xi32>
        %eq3A_322 = arith.constant 0 : i32
        %eq3A_323 = arith.cmpi eq, %add3A_256, %eq3A_322 : i32
        %gt3A_324 = arith.constant 0 : i32
        %gt3A_325 = arith.cmpi sgt, %squeeze3A_308, %gt3A_324 : i32
        %and3A_326 = arith.andi %eq3A_323, %gt3A_325 : i1
        %select_n3A_327 = arith.select %and3A_326, %reduce_min3A_321, %select_n3A_255 : i32
        %add3A_328 = arith.addi %add3A_256, %squeeze3A_308 : i32
        %scan3A_329 = arith.constant 3 : i32
        %scan3A_330 = arith.addi %scan3A_120, %scan3A_329 : i32
        %mul3A_331 = arith.constant 16 : i32
        %mul3A_332 = arith.muli %scan3A_330, %mul3A_331 : i32
        %get3A_333 = arith.index_cast %mul3A_332 : i32 to index
        %get3A_334 = tpu.vector_load %arg7[%get3A_333] {strides = array<i32>} : memref<12288xf32, #tpu.memory_space<vmem>>, vector<16xf32>,
        %add3A_335 = arith.constant 4096 : i32
        %add3A_336 = arith.addi %add3A_335, %mul3A_332 : i32
        %get3A_337 = arith.index_cast %add3A_336 : i32 to index
        %get3A_338 = tpu.vector_load %arg7[%get3A_337] {strides = array<i32>} : memref<12288xf32, #tpu.memory_space<vmem>>, vector<16xf32>,
        %add3A_339 = arith.constant 8192 : i32
        %add3A_340 = arith.addi %add3A_339, %mul3A_332 : i32
        %get3A_341 = arith.index_cast %add3A_340 : i32 to index
        %get3A_342 = tpu.vector_load %arg7[%get3A_341] {strides = array<i32>} : memref<12288xf32, #tpu.memory_space<vmem>>, vector<16xf32>,
        %get3A_343 = arith.index_cast %mul3A_332 : i32 to index
        %get3A_344 = tpu.vector_load %arg10[%get3A_343] {strides = array<i32>} : memref<4096xf32, #tpu.memory_space<vmem>>, vector<16xf32>,
        %mul3A_345 = arith.mulf %gather3A, %get3A_334 : vector<16xf32>
        %mul3A_346 = arith.mulf %gather3A_87, %get3A_338 : vector<16xf32>
        %add3A_347 = arith.addf %mul3A_345, %mul3A_346 : vector<16xf32>
        %mul3A_348 = arith.mulf %gather3A_91, %get3A_342 : vector<16xf32>
        %add3A_349 = arith.addf %add3A_347, %mul3A_348 : vector<16xf32>
        %add3A_350 = arith.addf %gather3A_93, %get3A_344 : vector<16xf32>
        %add3A_351 = arith.addf %add3A_350, %add3A_349 : vector<16xf32>
        %lt3A_352 = arith.constant 1.440000e-02 : f32
        %lt3A_353 = vector.broadcast %lt3A_352 : f32 to vector<16xf32>
        %lt3A_354 = arith.cmpf olt, %add3A_351, %lt3A_353 : vector<16xf32>
        %convert_element_type3A_355 = arith.extui %lt3A_354 : vector<16xi1> to vector<16xi32>
        %broadcast_in_dim3A_356 = arith.constant true
        %broadcast_in_dim3A_357 = vector.broadcast %broadcast_in_dim3A_356 : i1 to vector<16xi1>
        %masked_cumsum3A_358 = tpu.scan <sum>, %convert_element_type3A_355 masked %broadcast_in_dim3A_357 : vector<16xi32>, vector<16xi1> -> vector<16xi32>
        %sub3A_359 = arith.constant 1 : i32
        %sub3A_360 = arith.subi %add3A_328, %sub3A_359 : i32
        %add3A_361 = vector.broadcast %sub3A_360 : i32 to vector<16xi32>
        %add3A_362 = arith.addi %masked_cumsum3A_358, %add3A_361 : vector<16xi32>
        %lt3A_363 = arith.constant 32 : i32
        %lt3A_364 = vector.broadcast %lt3A_363 : i32 to vector<16xi32>
        %lt3A_365 = arith.cmpi slt, %add3A_362, %lt3A_364 : vector<16xi32>
        %and3A_366 = arith.andi %lt3A_354, %lt3A_365 : vector<16xi1>
        %jit3A_367 = arith.constant 0 : i32
        %jit3A_368 = arith.constant 31 : i32
        %max3A_369 = vector.broadcast %jit3A_367 : i32 to vector<16xi32>
        %max3A_370 = arith.maxsi %max3A_369, %add3A_362 : vector<16xi32>
        %min3A_371 = vector.broadcast %jit3A_368 : i32 to vector<16xi32>
        %min3A_372 = arith.minsi %min3A_371, %max3A_370 : vector<16xi32>
        %mul3A_373 = arith.constant 32 : i32
        %mul3A_374 = arith.muli %scan3A_82, %mul3A_373 : i32
        %add3A_375 = vector.broadcast %mul3A_374 : i32 to vector<16xi32>
        %add3A_376 = arith.addi %min3A_372, %add3A_375 : vector<16xi32>
        %add3A_377 = vector.broadcast %mul3A_332 : i32 to vector<16xi32>
        %add3A_378 = arith.addi %iota3A, %add3A_377 : vector<16xi32>
        tpu.vector_store_idx %arg11[%add3A_376], %add3A_378 masked %and3A_366 : memref<8192xi32, #tpu.memory_space<vmem>>[vector<16xi32>], vector<16xi32>, vector<16xi1>
        %slice3A_379 = vector.extract_strided_slice %masked_cumsum3A_358 {offsets = [15], sizes = [1], strides = [1]} : vector<16xi32> to vector<1xi32>
        %squeeze3A_380 = vector.extract %slice3A_379[0] : i32 from vector<1xi32>
        %add3A_381 = vector.broadcast %mul3A_332 : i32 to vector<16xi32>
        %add3A_382 = arith.addi %iota3A, %add3A_381 : vector<16xi32>
        %jit3A_383 = arith.constant 4096 : i32
        %broadcast_in_dim3A_384 = vector.broadcast %jit3A_383 : i32 to vector<16xi32>
        %select_n3A_385 = arith.select %lt3A_354, %add3A_382, %broadcast_in_dim3A_384 : vector<16xi1>, vector<16xi32>
        %reduce_min3A_386 = arith.constant true
        %reduce_min3A_387 = vector.broadcast %reduce_min3A_386 : i1 to vector<16xi1>
        %reduce_min3A_388 = arith.constant -2147483648 : i32
        %reduce_min3A_389 = vector.broadcast %reduce_min3A_388 : i32 to vector<16xi32>
        %reduce_min3A_390 = arith.xori %select_n3A_385, %reduce_min3A_389 : vector<16xi32>
        %reduce_min3A_391 = tpu.scan <min>, %reduce_min3A_390 masked %reduce_min3A_387 : vector<16xi32>, vector<16xi1> -> vector<16xi32>
        %reduce_min3A_392 = arith.xori %reduce_min3A_391, %reduce_min3A_389 : vector<16xi32>
        %reduce_min3A_393 = vector.extract %reduce_min3A_392[15] : i32 from vector<16xi32>
        %eq3A_394 = arith.constant 0 : i32
        %eq3A_395 = arith.cmpi eq, %add3A_328, %eq3A_394 : i32
        %gt3A_396 = arith.constant 0 : i32
        %gt3A_397 = arith.cmpi sgt, %squeeze3A_380, %gt3A_396 : i32
        %and3A_398 = arith.andi %eq3A_395, %gt3A_397 : i1
        %select_n3A_399 = arith.select %and3A_398, %reduce_min3A_393, %select_n3A_327 : i32
        %add3A_400 = arith.addi %add3A_328, %squeeze3A_380 : i32
        scf.yield %add3A_400, %select_n3A_399 : i32, i32
      }
      %scan3A_101 = arith.constant 256 : i32
      %min3A = arith.constant 32 : i32
      %min3A_102 = arith.minsi %scan3A_100#0, %min3A : i32
      %broadcast_in_dim3A_103 = vector.broadcast %min3A_102 : i32 to vector<16xi32>
      %broadcast_in_dim3A_104 = vector.broadcast %scan3A_100#1 : i32 to vector<16xi32>
      %add3A_105 = arith.constant 0 : i32
      %add3A_106 = vector.broadcast %add3A_105 : i32 to vector<16xi32>
      %add3A_107 = arith.addi %iota3A, %add3A_106 : vector<16xi32>
      %mul3A_108 = arith.constant 32 : i32
      %mul3A_109 = arith.muli %scan3A_82, %mul3A_108 : i32
      %add3A_110 = vector.broadcast %mul3A_109 : i32 to vector<16xi32>
      %add3A_111 = arith.addi %add3A_107, %add3A_110 : vector<16xi32>
      %ge3A = arith.cmpi sge, %add3A_107, %broadcast_in_dim3A_103 : vector<16xi32>
      tpu.vector_store_idx %arg11[%add3A_111], %broadcast_in_dim3A_104 masked %ge3A : memref<8192xi32, #tpu.memory_space<vmem>>[vector<16xi32>], vector<16xi32>, vector<16xi1>
      %add3A_112 = arith.constant 16 : i32
      %add3A_113 = vector.broadcast %add3A_112 : i32 to vector<16xi32>
      %add3A_114 = arith.addi %iota3A, %add3A_113 : vector<16xi32>
      %mul3A_115 = arith.constant 32 : i32
      %mul3A_116 = arith.muli %scan3A_82, %mul3A_115 : i32
      %add3A_117 = vector.broadcast %mul3A_116 : i32 to vector<16xi32>
      %add3A_118 = arith.addi %add3A_114, %add3A_117 : vector<16xi32>
      %ge3A_119 = arith.cmpi sge, %add3A_114, %broadcast_in_dim3A_103 : vector<16xi32>
      tpu.vector_store_idx %arg11[%add3A_118], %broadcast_in_dim3A_104 masked %ge3A_119 : memref<8192xi32, #tpu.memory_space<vmem>>[vector<16xi32>], vector<16xi32>, vector<16xi1>
    }
    %scan3A_77 = arith.constant 256 : i32
    %mul3A_78 = arith.constant 256 : i32
    %mul3A_79 = arith.muli %add3A, %mul3A_78 : i32
    %mul3A_80 = arith.constant 32 : i32
    %mul3A_81 = arith.muli %mul3A_79, %mul3A_80 : i32
    "tpu.region"() ({
      %run_scoped3A = tpu.sem_alloc : memref<!tpu.dma_semaphore, #tpu.memory_space<semaphore_mem>>
      %dma_start3A = tpu.memref_slice %arg6[%mul3A_81] : memref<262144xi32, #tpu.memory_space<hbm>> -> memref<8192xi32, #tpu.memory_space<hbm>>
      %dma_start3A_82 = tpu.memref_slice %arg6[%mul3A_81] : memref<262144xi32, #tpu.memory_space<hbm>> -> memref<8192xi32, #tpu.memory_space<hbm>>
      tpu.enqueue_dma source(%arg11 : memref<8192xi32, #tpu.memory_space<vmem>>) target(%dma_start3A_82 : memref<8192xi32, #tpu.memory_space<hbm>>) target_semaphore(%run_scoped3A : memref<!tpu.dma_semaphore, #tpu.memory_space<semaphore_mem>>)
      %dma_wait3A = tpu.memref_slice %arg6[%mul3A_81] : memref<262144xi32, #tpu.memory_space<hbm>> -> memref<8192xi32, #tpu.memory_space<hbm>>
      %dma_wait3A_83 = tpu.memref_slice %arg6[%mul3A_81] : memref<262144xi32, #tpu.memory_space<hbm>> -> memref<8192xi32, #tpu.memory_space<hbm>>
      tpu.wait_dma2 semaphore(%run_scoped3A : memref<!tpu.dma_semaphore, #tpu.memory_space<semaphore_mem>>) src(%arg11 : memref<8192xi32, #tpu.memory_space<vmem>>) dst(%dma_wait3A_83 : memref<8192xi32, #tpu.memory_space<hbm>>)
      tpu.yield
    }) : () -> ()
    return
  }
}

</mosaic_0001>

<sc_bundles>
// kernel: kernel.4.cloned.1.call-start
scs
__scs_entry_jumppad:
0x0: {  	(pc) =	sbr.rel $0x88, $3  }
0x1: {  	(tag) =	ssettag $0x0;
	lr =	simm.s32 $0x1  }
0x2: {  	[smem:$0x3F9E] =	sst lr;
	_ =	strace $0xD0000000  }
0x3: {  	_ = 	snop  }
0x4: {  	_ = 	snop  }
0x5: {  	_ = 	snop  }
0x6: {  	_ = 	snop  }
0x7: {  	_ = 	snop  }
__scs_overlays_trampoline_lowered:
0x8: {  	[smem:$0x3FAD] =	sst s0  }
0x9: {  	[smem:$0x3FAE] =	sst s1  }
0xa: {  	[smem:$0x3FAF] =	sst s2  }
0xb: {  	[smem:$0x3FB0] =	sst s3  }
0xc: {  	[smem:$0x3FB1] =	sst s4  }
0xd: {  	[smem:$0x3FB2] =	sst s5  }
0xe: {  	[smem:$0x3FB3] =	sst s6  }
0xf: {  	[smem:$0x3FB4] =	sst s7  }
0x10: {  	[smem:$0x3FB5] =	sst s8  }
0x11: {  	[smem:$0x3FB6] =	sst s9;
	s0 =	simm.s32 @!p0 $0x0  }
0x12: {  	s1 =	sld [smem:$0x3F9C];
	s0 =	simm.s32 @p0 $0x1  }
0x13: {  	[smem:$0x3FB7] =	sst s0;
	s0 =	simm.s32 @!p1 $0x0  }
0x14: {  	s2 =	sld [smem:$0x3F9B];
	s0 =	simm.s32 @p1 $0x1  }
0x15: {  	[smem:$0x3FB8] =	sst s0;
	s0 =	simm.s32 @!p2 $0x0  }
0x16: {  	s3 =	sld [smem:$0x3FDB];
	s0 =	simm.s32 @p2 $0x1  }
0x17: {  	s4 =	simm.s32 $0x1BF5;
	[smem:$0x3FBA] =	sst s0  }
0x18: {  	s0 =	sld [smem:$0x3F9D];
	_ =	swait.ge [sflag:s4], $0x0  }
0x19: {  	s7 =	sld [smem:$0x3F9E]  }
0x1a: {  	s8 =	sadd.s32 $0xFFFFE003, lr  }
0x1b: {  	s9 =	sadd.s32 $0xFFFFFEF7, lr;
	s5 =	simm.s32 $0xFFFFFFFF;
	p2 =	slt.u32 s8, $0xFFFFF086  }
0x1c: {  	p1 =	slt.u32 s9, $0xF7A;
	s5 =	simm.s32 @!p2 $0x0  }
0x1d: {  	s5 =	simm.s32 @p1 $0x1;
	p0 =	seq.s32 s7, s2  }
0x1e: {  	s7 =	smul.u32 @!p0 $0xF7A, s2;
	p2 =	seq.s32 @!p0 s5, $0x0  }
0x1f: {  	s9 =	smul.u32 $0xF7A, s1;
	s8 =	simm.s32 @!p0 $0x1BF5;
	p2 =	por !p2, p0  }
0x20: {  	[sflag:s8] =	ssyncset.s32 @!p0 $0xFFFFF086;
	s6 =	sadd.s32 @!p0 s3, s7;
	s7 =	simm.s32 @!p0 $0x108  }
0x21: {  	s3 =	sadd.s32 s3, s9;
	s6 =	sadd.s32 @!p0 $0x88, s6;
	s7 =	simm.s32 @p2 $0x1082  }
0x22: {  	[simem:s7], [sflag:s8] =	dma.local @!p0 [hbm:s6], $0xF7A  }
0x23: {  	s9 =	sor.u32 $0xD0000000, s2;
	s6 =	simm.s32 $0x108;
	_ =	swait.ge @!p0 [sflag:s8], $0x0  }
0x24: {  	s3 =	sadd.s32 $0x88, s3;
	s6 =	simm.s32 @!p1 $0x1082;
	[sflag:s4] =	ssyncset.s32 $0xFFFFF086  }
0x25: {  	[simem:s6], [sflag:s4] =	dma.local [hbm:s3], $0xF7A  }
0x26: {  	[smem:$0x3F9E] =	sst s1;
	(tag) =	ssettag s2;
	_ =	strace s9  }
0x27: {  	s1 =	sld [smem:$0x3FAE]  }
0x28: {  	s2 =	sld [smem:$0x3FAF]  }
0x29: {  	s4 =	sld [smem:$0x3FB1]  }
0x2a: {  	p0 =	seq.s32 s5, $0x0;
	s5 =	sld [smem:$0x3FB2]  }
0x2b: {  	s6 =	sld [smem:$0x3FB3]  }
0x2c: {  	s7 =	sld [smem:$0x3FB4]  }
0x2d: {  	s3 =	simm.s32 $0x108;
	s8 =	sld [smem:$0x3FB5]  }
0x2e: {  	s3 =	simm.s32 @!p0 $0x1082;
	s9 =	sld [smem:$0x3FB6]  }
0x2f: {  	lr =	sadd.s32 s0, s3;
	s0 =	sld [smem:$0x3FAD]  }
0x30: {  	s3 =	sld [smem:$0x3FB0]  }
0x31: {  	[smem:$0x3FB9] =	sst s10  }
0x32: {  	s10 =	sld [smem:$0x3FB7];
	_ =	sdelay $0x3  }
0x33: {  	p0 =	seq.s32 s10, $0x1;
	s10 =	sld [smem:$0x3FB9];
	_ =	sdelay $0x3  }
0x34: {  	[smem:$0x3FB9] =	sst s10  }
0x35: {  	s10 =	sld [smem:$0x3FB8];
	_ =	sdelay $0x3  }
0x36: {  	p1 =	seq.s32 s10, $0x1;
	s10 =	sld [smem:$0x3FB9];
	_ =	sdelay $0x3  }
0x37: {  	[smem:$0x3FB9] =	sst s10  }
0x38: {  	s10 =	sld [smem:$0x3FBA]  }
0x39: {  	_ = 	snop;
	(pc) =	sbr.ind lr, $3  }
0x3a: {  	_ = 	snop  }
0x3b: {  	_ = 	snop  }
0x3c: {  	p2 =	seq.s32 s10, $0x1;
	s10 =	sld [smem:$0x3FB9]  }
0x3d: {  	_ =	shalt  }
0x3e: {  	_ =	shalt  }
0x3f: {  	_ =	shalt  }
0x40: {  	_ =	shalt  }
0x41: {  	_ =	shalt  }
0x42: {  	_ =	shalt  }
0x43: {  	_ =	shalt  }
0x44: {  	_ =	shalt  }
0x45: {  	_ =	shalt  }
0x46: {  	_ =	shalt  }
0x47: {  	_ =	shalt  }
0x48: {  	_ =	shalt  }
0x49: {  	_ =	shalt  }
0x4a: {  	_ =	shalt  }
0x4b: {  	_ =	shalt  }
0x4c: {  	_ =	shalt  }
0x4d: {  	_ =	shalt  }
0x4e: {  	_ =	shalt  }
0x4f: {  	_ =	shalt  }
0x50: {  	_ =	shalt  }
0x51: {  	_ =	shalt  }
0x52: {  	_ =	shalt  }
0x53: {  	_ =	shalt  }
0x54: {  	_ =	shalt  }
0x55: {  	_ =	shalt  }
0x56: {  	_ =	shalt  }
0x57: {  	_ =	shalt  }
0x58: {  	_ =	shalt  }
0x59: {  	_ =	shalt  }
0x5a: {  	_ =	shalt  }
0x5b: {  	_ =	shalt  }
0x5c: {  	_ =	shalt  }
0x5d: {  	_ =	shalt  }
0x5e: {  	_ =	shalt  }
0x5f: {  	_ =	shalt  }
0x60: {  	_ =	shalt  }
0x61: {  	_ =	shalt  }
0x62: {  	_ =	shalt  }
0x63: {  	_ =	shalt  }
0x64: {  	_ =	shalt  }
0x65: {  	_ =	shalt  }
0x66: {  	_ =	shalt  }
0x67: {  	_ =	shalt  }
0x68: {  	_ =	shalt  }
0x69: {  	_ =	shalt  }
0x6a: {  	_ =	shalt  }
0x6b: {  	_ =	shalt  }
0x6c: {  	_ =	shalt  }
0x6d: {  	_ =	shalt  }
0x6e: {  	_ =	shalt  }
0x6f: {  	_ =	shalt  }
0x70: {  	_ =	shalt  }
0x71: {  	_ =	shalt  }
0x72: {  	_ =	shalt  }
0x73: {  	_ =	shalt  }
0x74: {  	_ =	shalt  }
0x75: {  	_ =	shalt  }
0x76: {  	_ =	shalt  }
0x77: {  	_ =	shalt  }
0x78: {  	_ =	shalt  }
0x79: {  	_ =	shalt  }
0x7a: {  	_ =	shalt  }
0x7b: {  	_ =	shalt  }
0x7c: {  	_ =	shalt  }
0x7d: {  	_ =	shalt  }
0x7e: {  	_ =	shalt  }
0x7f: {  	_ =	shalt  }
0x80: {  	_ =	shalt  }
0x81: {  	_ =	shalt  }
0x82: {  	_ =	shalt  }
0x83: {  	_ =	shalt  }
0x84: {  	_ =	shalt  }
0x85: {  	_ =	shalt  }
0x86: {  	_ =	shalt  }
0x87: {  	_ =	shalt  }
.Lfunc_end0:
.L_simem_size_0:
called_computation.1_lowered:
.L_overlay_start_0:
0x88: {  	s2 =	sld [smem:$0x3FD9]  }
0x89: {  	s3 =	sld [smem:$0x3FFE];
	_ =	sdelay $0x1  }
0x8a: {  	s1 =	srdreg.scid  }
0x8b: {  	s0 =	sand.u32 $0x1, s1  }
0x8c: {  	s17 =	sshll.u32 s0, $0xA;
	s2 =	sadd.s32 s3, s2  }
0x8d: {  	s2 =	sadd.s32 s2, s17  }
0x8e: {  	[smem:$0x3FC5] =	sst s2  }
0x8f: {  	_ = 	snop  }
0x90: {  	s2 =	sld [smem:$0x3FD0];
	(tm) =	ssettm $0x1  }
0x91: {  	s18 =	sld [smem:$0x3FFB];
	_ =	sdelay $0x3  }
0x92: {  	_ =	strace s18  }
0x93: {  	s3 =	sld [smem:$0x3FFC];
	_ =	sdelay $0x3  }
0x94: {  	_ =	strace s3  }
0x95: {  	s3 =	sld [smem:$0x3FFD];
	_ =	sdelay $0x3  }
0x96: {  	_ =	strace s3  }
0x97: {  	_ =	strace $0x8FFFFFFF  }
0x98: {  	s19 =	sld [smem:$0x3FDB];
	_ =	sdelay $0x1  }
0x99: {  	s4 =	simm.s32 $_scs_section_size  }
0x9a: {  	s5 =	simm.s32 $_size__tile_overlayer_lowered;
	s6 =	simm.s32 $_tile_overlayer_lowered  }
0x9b: {  	s22 =	simm.s32 $0x1BFF;
	s21 =	sshll.u32 s6, $0x1;
	s3 =	sadd.s32 s4, s19  }
0x9c: {  	s7 =	simm.s32 $0x0;
	s20 =	sshll.u32 s5, $0x1;
	s5 =	sadd.s32 s21, s3  }
0x9d: {  	[timem:s7], [sflag:s22] =	dma.local [hbm:s5], s20  }
0x9e: {  	_ =	swait.ge [sflag:s22], s20  }
0x9f: {  	s4 =	ssub.s32 $0x0, s20;
	[sflag:s22] =	ssyncset.done $0x0  }
0xa0: {  	[sflag:s22] =	ssyncadd.s32 s4;
	_ =	sdelay $0x1  }
0xa1: {  	s23 =	simm.s32 $0x1B8B  }
0xa2: {  	_ =	swait.ge [sflag:s23], $0x1  }
0xa3: {  	[sflag:s23] =	ssyncset.done $0x0  }
0xa4: {  	s25 =	simm.s32 $0x1B8E;
	s24 =	sld [smem:$0x3FFE];
	[sflag:s23] =	ssyncadd.s32 $0xFFFFFFFF  }
0xa5: {  	s26 =	simm.s32 $execute0_lowered;
	[smem:$0x3FD2] =	sst s25  }
0xa6: {  	s5 =	sshll.u32 s26, $0x1;
	_ =	strace $0x80000046;
	[dreg:$0x1] =	wrdreg $0xFFFFFFFF  }
0xa7: {  	s28 =	simm.s32 $_size_execute0_lowered;
	s3 =	sadd.s32 s3, s5;
	[dreg:$0x0] =	wrdreg $0x0  }
0xa8: {  	s5 =	sshll.u32 s28, $0x1;
	[dreg:$0x2] =	wrdreg s3  }
0xa9: {  	[dreg:$0x3] =	wrdreg s5  }
0xaa: {  	[dreg:$0x4] =	wrdreg $0xC0  }
0xab: {  	_ =	task [dreg:s7], $0x5FFFF  }
0xac: {  	[dreg:$0x1] =	wrdreg $0xFFFFFFFF  }
0xad: {  	[dreg:$0x0] =	wrdreg $0x60  }
0xae: {  	[dreg:$0x2] =	wrdreg s24  }
0xaf: {  	[dreg:$0x3] =	wrdreg s2  }
0xb0: {  	[dreg:$0x4] =	wrdreg $0x9  }
0xb1: {  	_ =	task.clear_ibuf [dreg:s7], $0x5FFFF;
	_ =	strace $0x90000046  }
0xb2: {  	s29 =	simm.s32 $0x9;
	_ =	strace $0x80000048  }
0xb3: {  	_ =	swait.ge [sflag:s29], $0x1  }
0xb4: {  	[sflag:s29] =	ssyncadd.s32 $0xFFFFFFFF  }
0xb5: {  	_ =	strace $0x90000048  }
0xb6: {  	_ =	sfence  }
0xb7: {  	s30 =	sld [smem:$0x0];
	_ =	sdelay $0x2  }
0xb8: {  	s31 =	sshll.u32 s1, $0xD;
	s1 =	sshrl.u32 s1, $0x2  }
0xb9: {  	s3 =	sand.u32 $0x4000, s31;
	s1 =	sadd.s32 s1, s30  }
0xba: {  	s0 =	sor.u32 s3, s0;
	s1 =	sshll.u32 s1, $0x11  }
0xbb: {  	s0 =	sor.u32 s1, s0  }
0xbc: {  	s0 =	sadd.s32 $0x8F2B, s0  }
0xbd: {  	[sflag:s0] =	ssyncadd.remote.s32 $0x1  }
0xbe: {  	_ =	sfence.sel $0xFFFF  }
0xbf: {  	[dreg:$0x0] =	wrdreg $0xFFFFFFFF;
	(pc) =	sbr.abs _section_cstart, $3  }
0xc0: {  	[dreg:$0x1] =	wrdreg $0xFFFFFFFF  }
0xc1: {  	_ =	task.clear_ibuf [dreg:s7], $0x2FFFF;
	_ =	strace $0x9FFFFFFF  }
0xc2: {  	(tm) =	ssettm $0x7FFFFFFF  }
0xc3: {  	_ =	shalt  }
tec
execute0_lowered:
.L_overlay_start_1:
0x0: {  	(tag) =	ssettag $0x1  }
0x1: {  	s0 =	rddreg [dreg:$0x0]  }
0x2: {  	s1 =	rddreg [dreg:$0x1]  }
0x3: {  	s2 =	simm.s32 $0x0;
	s8 =	stileid.u32;
	s6 =	srdreg.scid  }
0x4: {  	s14 =	simm.s32 $0x1;
	s15 =	simm.s32 $0x3000;
	[smem:$0x7FF] =	sst s2  }
0x5: {  	s3 =	sshrl.u32 s8, $0x1;
	s4 =	sadd.s32 $0xA00, s0;
	s6 =	sand.u32 $0x1, s6  }
0x6: {  	s8 =	sshll.u32 s8, $0x1;
	_ =	strace $0x80000047;
	s21 =	smul.u32 $0x600, s3  }
0x7: {  	s5 =	sshll.u32 s3, $0x7;
	s7 =	sshll.u32 s3, $0x9;
	s9 =	smul.u32 $0x3, s3  }
0x8: {  	s19 =	sor.u32 s6, s8;
	s6 =	ssub.s32 $0x2, s6;
	s23 =	smul.u32 $0x180, s3  }
0x9: {  	s10 =	sadd.s32 s5, s0;
	s11 =	sadd.s32 s7, s0;
	s20 =	sshll.u32 s19, $0xA  }
0xa: {  	s22 =	sshrl.u32 s6, $0x1;
	s5 =	sshll.u32 s19, $0x8;
	s0 =	sadd.s32 s20, s0  }
0xb: {  	s13 =	ssub.s32 s6, s22;
	s3 =	sand.u32 $0x300, s5;
	s24 =	sadd.s32 s1, s21  }
0xc: {  	s25 =	sadd.s32 $0x1, s9;
	s26 =	sadd.s32 s4, s23;
	s9 =	sadd.s32 $0x2, s9  }
0xd: {  	s10 =	sadd.s32 $0x600, s10;
	s11 =	sadd.s32 $0x1600, s11;
	s20 =	simm.s32 $0x3C00  }
0xe: {  	s22 =	simm.s32 $0x5000;
	s23 =	simm.s32 $0x0;
	[dreg:$0x3] =	wrdreg s24  }
0xf: {  	[dreg:$0x4] =	wrdreg s26;
	s28 =	sshll.u32 s25, $0x9;
	s7 =	sshll.u32 s25, $0x7  }
0x10: {  	v0 =	vlaneseq.u32;
	s30 =	sshll.u32 s9, $0x9;
	s31 =	sshll.u32 s9, $0x7;
	s12 =	sadd.s32 $0x2600, s0  }
0x11: {  	v1 =	vimm.s32 $0x0;
	v2 =	vor.u32 $0x80000000, v0;
	s13 =	smax.u32 s13, $0x1;
	s29 =	sadd.s32 s1, s28;
	s7 =	sadd.s32 s4, s7  }
0x12: {  	v3 =	vadd.s32 $0x1, v0;
	v4 =	vadd.s32 $0x11, v0;
	v5 =	vor.u32 $0x10, v0;
	s8 =	sadd.s32 s1, s30;
	s9 =	sadd.s32 s4, s31;
	[dreg:$0x5] =	wrdreg s29  }
.LBB2_1:
0x13: {  	s0 =	rddreg [dreg:$0x3]  }
0x14: {  	[tilespmem:s2], [sflag:$0x1] =	stream.linear.gather [hbm4b:s0+s2], $0x1000, $0x38;
	[tilespmem:$0x7000] =	vst v63  }
0x15: {  	_ =	swait.ge [sflag:s14], $0x1000  }
0x16: {  	[sflag:s14] =	ssyncset.done $0x0  }
0x17: {  	s25 =	rddreg [dreg:$0x4];
	[sflag:s14] =	ssyncadd.s32 $0xFFFFF000  }
0x18: {  	[tilespmem:s15], [sflag:$0x1] =	stream.linear.gather [hbm4b:s25+s2], $0x400, $0x38;
	[tilespmem:$0x7000] =	vst v63  }
0x19: {  	_ =	swait.ge [sflag:s14], $0x400  }
0x1a: {  	[sflag:s14] =	ssyncset.done $0x0  }
0x1b: {  	s1 =	simm.s32 $0x1000;
	s26 =	rddreg [dreg:$0x5];
	[sflag:s14] =	ssyncadd.s32 $0xFFFFFC00  }
0x1c: {  	[tilespmem:s1], [sflag:$0x1] =	stream.linear.gather [hbm4b:s26+s2], $0x1000, $0x38;
	[tilespmem:$0x7000] =	vst v63  }
0x1d: {  	_ =	swait.ge [sflag:s14], $0x1000  }
0x1e: {  	[sflag:s14] =	ssyncset.done $0x0  }
0x1f: {  	s28 =	simm.s32 $0x3400;
	[sflag:s14] =	ssyncadd.s32 $0xFFFFF000  }
0x20: {  	[tilespmem:s28], [sflag:$0x1] =	stream.linear.gather [hbm4b:s7+s2], $0x400, $0x38;
	[tilespmem:$0x7000] =	vst v63  }
0x21: {  	_ =	swait.ge [sflag:s14], $0x400  }
0x22: {  	[sflag:s14] =	ssyncset.done $0x0  }
0x23: {  	s29 =	simm.s32 $0x2000;
	[sflag:s14] =	ssyncadd.s32 $0xFFFFFC00  }
0x24: {  	[tilespmem:s29], [sflag:$0x1] =	stream.linear.gather [hbm4b:s8+s2], $0x1000, $0x38;
	[tilespmem:$0x7000] =	vst v63  }
0x25: {  	_ =	swait.ge [sflag:s14], $0x1000  }
0x26: {  	[sflag:s14] =	ssyncset.done $0x0  }
0x27: {  	s30 =	simm.s32 $0x3800;
	[sflag:s14] =	ssyncadd.s32 $0xFFFFF000  }
0x28: {  	[tilespmem:s30], [sflag:$0x1] =	stream.linear.gather [hbm4b:s9+s2], $0x400, $0x38;
	[tilespmem:$0x7000] =	vst v63  }
0x29: {  	_ =	swait.ge [sflag:s14], $0x400  }
0x2a: {  	[sflag:s14] =	ssyncset.done $0x0  }
0x2b: {  	[sflag:s14] =	ssyncadd.s32 $0xFFFFFC00  }
0x2c: {  	[tilespmem:s20], [sflag:$0x1] =	stream.linear.gather [hbm4b:s10+s2], $0x400, $0x38;
	[tilespmem:$0x7000] =	vst v63  }
0x2d: {  	_ =	swait.ge [sflag:s14], $0x400  }
0x2e: {  	[sflag:s14] =	ssyncset.done $0x0  }
0x2f: {  	s31 =	simm.s32 $0x4000;
	[sflag:s14] =	ssyncadd.s32 $0xFFFFFC00  }
0x30: {  	[tilespmem:s31], [sflag:$0x1] =	stream.linear.gather [hbm4b:s11+s2], $0x1000, $0x38;
	[tilespmem:$0x7000] =	vst v63  }
0x31: {  	_ =	swait.ge [sflag:s14], $0x1000  }
0x32: {  	[sflag:s14] =	ssyncset.done $0x0  }
0x33: {  	s24 =	simm.s32 $0x0;
	[sflag:s14] =	ssyncadd.s32 $0xFFFFF000  }
.LBB2_2:
0x34: {  	s0 =	sor.u32 s3, s24  }
0x35: {  	v6 =	vmov s0;
	s1 =	sor.u32 $0x400, s0  }
0x36: {  	s0 =	sor.u32 $0x800, s0;
	v8 =	vmov s1  }
0x37: {  	v9 =	vmov s0;
	s1 =	simm.s32 $0x0;
	s0 =	simm.s32 $0x1020  }
0x38: {  	s4 =	sand.u32 $0xFC0, s1;
	v12 =	vld [tilespmem:s0+$0xFFFFEFE0]  }
0x39: {  	v11 =	vld [tilespmem:s4+$0x1000]  }
0x3a: {  	v7 =	vld.idx.msk [tilespmem:v6+s15+$0x0], $0xffff  }
0x3b: {  	v8 =	vld.idx.msk [tilespmem:v8+s15+$0x0], $0xffff  }
0x3c: {  	v13 =	vld [tilespmem:s4+$0x2000]  }
0x3d: {  	v9 =	vld.idx.msk [tilespmem:v9+s15+$0x0], $0xffff  }
0x3e: {  	s16 =	simm.s32 $0x4020;
	v10 =	vld.idx.msk [tilespmem:v6+s20+$0x0], $0xffff  }
0x3f: {  	v6 =	vld [tilespmem:s16+$0xFFFFFFE0]  }
0x40: {  	v12 =	vmul.f32 v12, v7;
	v11 =	vmul.f32 v11, v8;
	_ =	sdelay $0x1  }
0x41: {  	v11 =	vadd.f32 v11, v12;
	v12 =	vmul.f32 v13, v9;
	_ =	sdelay $0x1  }
0x42: {  	v6 =	vadd.f32 v6, v10;
	v11 =	vadd.f32 v12, v11;
	_ =	sdelay $0x1  }
0x43: {  	v6 =	vadd.f32 v11, v6;
	_ =	sdelay $0x1  }
0x44: {  	vm0 =	vlt.f32 v6, $1.439999980e-02  }
0x45: {  	v6 =	vsel vm0, $0x1, v1  }
0x46: {  	(xrf0) =	vadd.scan.msk.s32 $0xffff, v6;
	_ =	sdelay $0x5  }
0x47: {  	s21 =	simm.s32 $0xFFFFFFFF;
	v11, _, _ =	vpop (xrf0)  }
0x48: {  	v6 =	vadd.s32 s21, v11  }
0x49: {  	vm1 =	vgt.s32 v6, $0x0  }
0x4a: {  	s25 =	sshll.u32 s24, $0x5;
	vm2 =	vlt.s32 v6, $0x20;
	v12 =	vnsel vm1, $0x0, v6  }
0x4b: {  	v6 =	vmov s25;
	vm15 =	vmand vm0, vm2;
	v12 =	vmin.u32 v12, $0x1F  }
0x4c: {  	v12 =	vor.u32 v6, v12;
	_ =	sdelay $0x3  }
0x4d: {  	v13 =	vor.u32 s1, v0  }
0x4e: {  	[tilespmem:v12+s22+$0x0] =	vst.idx.msk vm15, v13  }
0x4f: {  	v12 =	vld [tilespmem:s0+$0xFFFFEFF0]  }
0x50: {  	v13 =	vld [tilespmem:s0+$0xFFFFFFF0];
	_ =	sdelay $0x1  }
0x51: {  	v14 =	vld [tilespmem:s0+$0xFF0];
	_ =	sdelay $0x1  }
0x52: {  	(v2sf) =	vpush v11, $0xF;
	v11 =	vld [tilespmem:s16+$0xFFFFFFF0]  }
0x53: {  	v12 =	vmul.f32 v12, v7;
	v13 =	vmul.f32 v13, v8;
	_ =	sdelay $0x1  }
0x54: {  	v12 =	vadd.f32 v13, v12;
	v13 =	vmul.f32 v14, v9;
	_ =	sdelay $0x1  }
0x55: {  	v11 =	vadd.f32 v11, v10;
	v12 =	vadd.f32 v13, v12;
	_ =	sdelay $0x1  }
0x56: {  	v11 =	vadd.f32 v12, v11  }
0x57: {  	v12 =	vor.u32 s1, v2  }
0x58: {  	v12 =	vnsel vm0, $0x80001000, v12;
	vm4 =	vlt.f32 v11, $1.439999980e-02  }
0x59: {  	(xrf0) =	vmin.scan.msk.u32 $0xffff, v12;
	v11 =	vsel vm4, $0x1, v1  }
0x5a: {  	(xrf0) =	vadd.scan.msk.s32 $0xffff, v11;
	_ =	sdelay $0x3  }
0x5b: {  	s18 =	spop (v2sf)  }
0x5c: {  	s17 =	sadd.s32 $0x0, s18;
	v11, _, _ =	vpop (xrf0)  }
0x5d: {  	s26 =	sadd.s32 $0xFFFFFFFF, s17;
	v12, _, _ =	vpop (xrf0)  }
0x5e: {  	v13 =	vadd.s32 s26, v12  }
0x5f: {  	vm5 =	vgt.s32 v13, $0x0  }
0x60: {  	vm6 =	vlt.s32 v13, $0x20;
	v13 =	vnsel vm5, $0x0, v13  }
0x61: {  	vm7 =	vmand vm4, vm6;
	v13 =	vmin.u32 v13, $0x1F  }
0x62: {  	v13 =	vor.u32 v6, v13;
	_ =	sdelay $0x2  }
0x63: {  	s5 =	simm.s32 $0x10  }
0x64: {  	v14 =	vor.u32 s5, v0  }
0x65: {  	[tilespmem:v13+s22+$0x0] =	vst.idx.msk vm7, v14  }
0x66: {  	v13 =	vld [tilespmem:s0+$0xFFFFF000]  }
0x67: {  	v14 =	vld [tilespmem:s0+$0x0];
	_ =	sdelay $0x1  }
0x68: {  	v15 =	vld [tilespmem:s0+$0x1000]  }
0x69: {  	(v2sf) =	vpush v11, $0xF  }
0x6a: {  	(v2sf) =	vpush v12, $0xF;
	v11 =	vld [tilespmem:s16+$0x0]  }
0x6b: {  	v12 =	vmul.f32 v13, v7;
	v13 =	vmul.f32 v14, v8;
	_ =	sdelay $0x1  }
0x6c: {  	v12 =	vadd.f32 v13, v12;
	v13 =	vmul.f32 v15, v9;
	_ =	sdelay $0x1  }
0x6d: {  	v11 =	vadd.f32 v11, v10;
	v12 =	vadd.f32 v13, v12;
	_ =	sdelay $0x1  }
0x6e: {  	v11 =	vadd.f32 v12, v11  }
0x6f: {  	v12 =	vor.u32 s5, v2  }
0x70: {  	v12 =	vnsel vm4, $0x80001000, v12;
	vm8 =	vlt.f32 v11, $1.439999980e-02  }
0x71: {  	(xrf0) =	vmin.scan.msk.u32 $0xffff, v12;
	v11 =	vsel vm8, $0x1, v1  }
0x72: {  	(xrf0) =	vadd.scan.msk.s32 $0xffff, v11;
	_ =	sdelay $0x2  }
0x73: {  	s4 =	spop (v2sf)  }
0x74: {  	s19 =	spop (v2sf)  }
0x75: {  	s30 =	sadd.s32 s17, s19;
	v11, _, _ =	vpop (xrf0)  }
0x76: {  	s21 =	sadd.s32 $0xFFFFFFFF, s30;
	v12, _, _ =	vpop (xrf0)  }
0x77: {  	v13 =	vadd.s32 s21, v12  }
0x78: {  	vm9 =	vgt.s32 v13, $0x0  }
0x79: {  	vm10 =	vlt.s32 v13, $0x20;
	v13 =	vnsel vm9, $0x0, v13  }
0x7a: {  	vm11 =	vmand vm8, vm10;
	v13 =	vmin.u32 v13, $0x1F  }
0x7b: {  	v13 =	vor.u32 v6, v13  }
0x7c: {  	s6 =	simm.s32 $0x20  }
0x7d: {  	v14 =	vor.u32 s6, v2  }
0x7e: {  	v14 =	vnsel vm8, $0x80001000, v14  }
0x7f: {  	(xrf0) =	vmin.scan.msk.u32 $0xffff, v14;
	v14 =	vor.u32 s6, v0  }
0x80: {  	[tilespmem:v13+s22+$0x0] =	vst.idx.msk vm11, v14  }
0x81: {  	v13 =	vld [tilespmem:s0+$0xFFFFF010]  }
0x82: {  	v14 =	vld [tilespmem:s0+$0x10];
	_ =	sdelay $0x1  }
0x83: {  	v15 =	vld [tilespmem:s0+$0x1010]  }
0x84: {  	(v2sf) =	vpush v11, $0xF;
	v11, _, _ =	vpop (xrf0)  }
0x85: {  	(v2sf) =	vpush v11, $0xF;
	v11 =	vld [tilespmem:s16+$0x10]  }
0x86: {  	(v2sf) =	vpush v12, $0xF;
	v12 =	vmul.f32 v13, v7;
	v13 =	vmul.f32 v14, v8;
	_ =	sdelay $0x1  }
0x87: {  	v14 =	vmul.f32 v15, v9;
	v12 =	vadd.f32 v13, v12;
	_ =	sdelay $0x1  }
0x88: {  	v11 =	vadd.f32 v11, v10;
	v12 =	vadd.f32 v14, v12;
	_ =	sdelay $0x1  }
0x89: {  	v11 =	vadd.f32 v12, v11;
	_ =	sdelay $0x1  }
0x8a: {  	vm12 =	vlt.f32 v11, $1.439999980e-02  }
0x8b: {  	v11 =	vsel vm12, $0x1, v1  }
0x8c: {  	(xrf0) =	vadd.scan.msk.s32 $0xffff, v11;
	_ =	sdelay $0x2  }
0x8d: {  	s6 =	simm.s32 $0x30  }
0x8e: {  	v13 =	vor.u32 s6, v2  }
0x8f: {  	v13 =	vnsel vm12, $0x80001000, v13  }
0x90: {  	v12, _, _ =	vpop (xrf0);
	(xrf0) =	vmin.scan.msk.u32 $0xffff, v13  }
0x91: {  	s21 =	spop (v2sf)  }
0x92: {  	s5 =	spop (v2sf)  }
0x93: {  	s25 =	spop (v2sf)  }
0x94: {  	s0 =	sadd.s32 s30, s25  }
0x95: {  	s26 =	sadd.s32 $0xFFFFFFFF, s0  }
0x96: {  	v11 =	vadd.s32 s26, v12;
	(v2sf) =	vpush v12, $0xF;
	v12, _, _ =	vpop (xrf0)  }
0x97: {  	vm13 =	vgt.s32 v11, $0x0;
	(v2sf) =	vpush v12, $0xF  }
0x98: {  	vm14 =	vlt.s32 v11, $0x20;
	v11 =	vnsel vm13, $0x0, v11  }
0x99: {  	vm15 =	vmand vm12, vm14;
	v11 =	vmin.u32 v11, $0x1F  }
0x9a: {  	v11 =	vor.u32 v6, v11;
	_ =	sdelay $0x1  }
0x9b: {  	p0 =	sgt.s32 s18, $0x0;
	s18 =	simm.s32 $0x0;
	s4 =	sxor.u32 $0x80000000, s4  }
0x9c: {  	s18 =	smov.u32 @p0 s4;
	p0 =	por $0x1, $0x1  }
0x9d: {  	s1 =	smov.u32 @p0 s18;
	p0 =	sgt.s32 s19, $0x0;
	v13 =	vor.u32 s6, v0;
	s26 =	simm.s32 $0x40  }
0x9e: {  	s16 =	smov.u32 s1;
	s4 =	sxor.u32 $0x80000000, s21;
	s19 =	sand.u32 $0xFC0, s26;
	[tilespmem:v11+s22+$0x0] =	vst.idx.msk vm15, v13  }
0x9f: {  	s28 =	simm.s32 $0x1060;
	s16 =	smov.u32 @p0 s4;
	p0 =	seq.s32 s17, $0x0;
	v11 =	vld [tilespmem:s19+$0x1000]  }
0xa0: {  	s1 =	smov.u32 @p0 s16;
	v13 =	vld [tilespmem:s28+$0xFFFFEFE0]  }
0xa1: {  	s16 =	sxor.u32 $0x80000000, s5;
	p0 =	sgt.s32 s25, $0x0;
	s25 =	smov.u32 s1  }
0xa2: {  	s31 =	simm.s32 $0x4;
	s29 =	simm.s32 $0x4060;
	s25 =	smov.u32 @p0 s16;
	v12 =	vld [tilespmem:s19+$0x2000]  }
.LBB2_3:
0xa3: {  	s31 =	sadd.s32 $0x4, s31;
	p1 =	seq.s32 s30, $0x0  }
0xa4: {  	p0 =	slt.u32 s31, $0xFC;
	v14 =	vld [tilespmem:s29+$0xFFFFFFE0];
	s4 =	spop (v2sf);
	s1 =	smov.u32 @p1 s25  }
0xa5: {  	v11 =	vmul.f32 v11, v8;
	v13 =	vmul.f32 v13, v7;
	p2 =	sgt.s32 s4, $0x0;
	s30 =	sadd.s32 s0, s4;
	s4 =	spop (v2sf)  }
0xa6: {  	p1 =	seq.s32 s0, $0x0;
	s0 =	smov.u32 s1;
	s4 =	sxor.u32 $0x80000000, s4  }
0xa7: {  	v11 =	vadd.f32 v11, v13;
	v12 =	vmul.f32 v12, v9;
	s0 =	smov.u32 @p2 s4  }
0xa8: {  	s1 =	smov.u32 @p1 s0  }
0xa9: {  	v11 =	vadd.f32 v12, v11;
	v12 =	vadd.f32 v14, v10;
	_ =	sdelay $0x1  }
0xaa: {  	v11 =	vadd.f32 v11, v12;
	_ =	sdelay $0x1  }
0xab: {  	vm0 =	vlt.f32 v11, $1.439999980e-02;
	v11 =	vor.u32 s26, v2  }
0xac: {  	v12 =	vsel vm0, $0x1, v1;
	v11 =	vnsel vm0, $0x80001000, v11  }
0xad: {  	(xrf0) =	vadd.scan.msk.s32 $0xffff, v12  }
0xae: {  	(xrf0) =	vmin.scan.msk.u32 $0xffff, v11;
	_ =	sdelay $0x4  }
0xaf: {  	s0 =	sadd.s32 $0xFFFFFFFF, s30;
	v11, _, _ =	vpop (xrf0)  }
0xb0: {  	v12 =	vadd.s32 s0, v11;
	(v2sf) =	vpush v11, $0xF;
	v11, _, _ =	vpop (xrf0)  }
0xb1: {  	vm1 =	vlt.s32 v12, $0x20;
	vm2 =	vgt.s32 v12, $0x0;
	(v2sf) =	vpush v11, $0xF  }
0xb2: {  	vm0 =	vmand vm0, vm1;
	v11 =	vnsel vm2, $0x0, v12  }
0xb3: {  	v11 =	vmin.u32 v11, $0x1F  }
0xb4: {  	v11 =	vor.u32 v6, v11;
	_ =	sdelay $0x3  }
0xb5: {  	v12 =	vor.u32 s26, v0  }
0xb6: {  	[tilespmem:v11+s22+$0x0] =	vst.idx.msk vm0, v12  }
0xb7: {  	v11 =	vld [tilespmem:s28+$0xFFFFEFF0]  }
0xb8: {  	v12 =	vld [tilespmem:s28+$0xFFFFFFF0];
	_ =	sdelay $0x1  }
0xb9: {  	v13 =	vld [tilespmem:s28+$0xFF0];
	_ =	sdelay $0x1  }
0xba: {  	v14 =	vld [tilespmem:s29+$0xFFFFFFF0];
	s0 =	spop (v2sf)  }
0xbb: {  	v11 =	vmul.f32 v11, v7;
	p1 =	sgt.s32 s0, $0x0;
	s0 =	sadd.s32 s30, s0;
	v12 =	vmul.f32 v12, v8;
	s4 =	spop (v2sf)  }
0xbc: {  	s16 =	smov.u32 s1;
	s4 =	sxor.u32 $0x80000000, s4  }
0xbd: {  	s16 =	smov.u32 @p1 s4;
	v11 =	vadd.f32 v12, v11;
	v12 =	vmul.f32 v13, v9;
	_ =	sdelay $0x1  }
0xbe: {  	v11 =	vadd.f32 v12, v11;
	v12 =	vadd.f32 v14, v10;
	_ =	sdelay $0x1  }
0xbf: {  	v11 =	vadd.f32 v11, v12  }
0xc0: {  	s4 =	sadd.s32 $0x10, s26  }
0xc1: {  	vm0 =	vlt.f32 v11, $1.439999980e-02;
	v11 =	vor.u32 s4, v2  }
0xc2: {  	v12 =	vsel vm0, $0x1, v1;
	v11 =	vnsel vm0, $0x80001000, v11  }
0xc3: {  	(xrf0) =	vadd.scan.msk.s32 $0xffff, v12  }
0xc4: {  	(xrf0) =	vmin.scan.msk.u32 $0xffff, v11;
	_ =	sdelay $0x4  }
0xc5: {  	s17 =	sadd.s32 $0xFFFFFFFF, s0;
	v11, _, _ =	vpop (xrf0)  }
0xc6: {  	v12 =	vadd.s32 s17, v11;
	(v2sf) =	vpush v11, $0xF;
	v11, _, _ =	vpop (xrf0)  }
0xc7: {  	vm1 =	vgt.s32 v12, $0x0;
	(v2sf) =	vpush v11, $0xF  }
0xc8: {  	vm2 =	vlt.s32 v12, $0x20;
	v11 =	vnsel vm1, $0x0, v12  }
0xc9: {  	vm0 =	vmand vm0, vm2;
	v11 =	vmin.u32 v11, $0x1F  }
0xca: {  	v11 =	vor.u32 v6, v11;
	_ =	sdelay $0x3  }
0xcb: {  	v12 =	vor.u32 s4, v0  }
0xcc: {  	[tilespmem:v11+s22+$0x0] =	vst.idx.msk vm0, v12  }
0xcd: {  	v11 =	vld [tilespmem:s28+$0xFFFFF000]  }
0xce: {  	v12 =	vld [tilespmem:s28+$0x0];
	_ =	sdelay $0x1  }
0xcf: {  	v13 =	vld [tilespmem:s28+$0x1000]  }
0xd0: {  	p1 =	seq.s32 s30, $0x0  }
0xd1: {  	s1 =	smov.u32 @p1 s16;
	v14 =	vld [tilespmem:s29+$0x0];
	v11 =	vmul.f32 v11, v7;
	s4 =	spop (v2sf)  }
0xd2: {  	p2 =	sgt.s32 s4, $0x0;
	s30 =	sadd.s32 s0, s4;
	v12 =	vmul.f32 v12, v8;
	s4 =	spop (v2sf)  }
0xd3: {  	s16 =	smov.u32 s1;
	s4 =	sxor.u32 $0x80000000, s4  }
0xd4: {  	s16 =	smov.u32 @p2 s4;
	v11 =	vadd.f32 v12, v11;
	v12 =	vmul.f32 v13, v9;
	_ =	sdelay $0x1  }
0xd5: {  	v11 =	vadd.f32 v12, v11;
	v12 =	vadd.f32 v14, v10;
	_ =	sdelay $0x1  }
0xd6: {  	v11 =	vadd.f32 v11, v12  }
0xd7: {  	s4 =	sadd.s32 $0x20, s26  }
0xd8: {  	vm0 =	vlt.f32 v11, $1.439999980e-02;
	v11 =	vor.u32 s4, v2  }
0xd9: {  	v12 =	vsel vm0, $0x1, v1;
	v11 =	vnsel vm0, $0x80001000, v11  }
0xda: {  	(xrf0) =	vadd.scan.msk.s32 $0xffff, v12  }
0xdb: {  	(xrf0) =	vmin.scan.msk.u32 $0xffff, v11;
	_ =	sdelay $0x4  }
0xdc: {  	s17 =	sadd.s32 $0xFFFFFFFF, s30;
	v11, _, _ =	vpop (xrf0)  }
0xdd: {  	v12 =	vadd.s32 s17, v11;
	v13, _, _ =	vpop (xrf0)  }
0xde: {  	vm1 =	vlt.s32 v12, $0x20;
	vm2 =	vgt.s32 v12, $0x0;
	(v2sf) =	vpush v13, $0xF  }
0xdf: {  	vm0 =	vmand vm0, vm1;
	v12 =	vnsel vm2, $0x0, v12  }
0xe0: {  	v12 =	vmin.u32 v12, $0x1F  }
0xe1: {  	v12 =	vor.u32 v6, v12;
	_ =	sdelay $0x3  }
0xe2: {  	v13 =	vor.u32 s4, v0  }
0xe3: {  	[tilespmem:v12+s22+$0x0] =	vst.idx.msk vm0, v13  }
0xe4: {  	v12 =	vld [tilespmem:s28+$0xFFFFF010]  }
0xe5: {  	v13 =	vld [tilespmem:s28+$0x10]  }
0xe6: {  	v14 =	vld [tilespmem:s28+$0x1010]  }
0xe7: {  	v15 =	vld [tilespmem:s29+$0x10]  }
0xe8: {  	(v2sf) =	vpush v11, $0xF  }
0xe9: {  	v11 =	vmul.f32 v12, v7  }
0xea: {  	v12 =	vmul.f32 v13, v8;
	s4 =	spop (v2sf)  }
0xeb: {  	v13 =	vmul.f32 v14, v9  }
0xec: {  	v11 =	vadd.f32 v12, v11  }
0xed: {  	v12 =	vadd.f32 v15, v10  }
0xee: {  	v11 =	vadd.f32 v13, v11;
	_ =	sdelay $0x1  }
0xef: {  	v11 =	vadd.f32 v11, v12  }
0xf0: {  	s17 =	sadd.s32 $0x30, s26  }
0xf1: {  	vm0 =	vlt.f32 v11, $1.439999980e-02;
	v11 =	vor.u32 s17, v2  }
0xf2: {  	v12 =	vsel vm0, $0x1, v1;
	v11 =	vnsel vm0, $0x80001000, v11  }
0xf3: {  	(xrf0) =	vadd.scan.msk.s32 $0xffff, v12  }
0xf4: {  	p1 =	seq.s32 s0, $0x0;
	(xrf0) =	vmin.scan.msk.u32 $0xffff, v11  }
0xf5: {  	s1 =	smov.u32 @p1 s16  }
0xf6: {  	s25 =	smov.u32 s1;
	s0 =	spop (v2sf)  }
0xf7: {  	s4 =	sxor.u32 $0x80000000, s4;
	p1 =	sgt.s32 s0, $0x0;
	s0 =	sadd.s32 s30, s0  }
0xf8: {  	s25 =	smov.u32 @p1 s4;
	s4 =	sadd.s32 $0xFFFFFFFF, s0  }
0xf9: {  	v11, _, _ =	vpop (xrf0)  }
0xfa: {  	v12 =	vadd.s32 s4, v11;
	(v2sf) =	vpush v11, $0xF;
	v11, _, _ =	vpop (xrf0)  }
0xfb: {  	vm1 =	vlt.s32 v12, $0x20;
	vm2 =	vgt.s32 v12, $0x0;
	(v2sf) =	vpush v11, $0xF  }
0xfc: {  	vm0 =	vmand vm0, vm1;
	v11 =	vnsel vm2, $0x0, v12  }
0xfd: {  	v11 =	vmin.u32 v11, $0x1F  }
0xfe: {  	v11 =	vor.u32 v6, v11;
	_ =	sdelay $0x2  }
0xff: {  	v12 =	vor.u32 s17, v0  }
0x100: {  	s26 =	sadd.s32 $0x40, s26;
	s28 =	sadd.s32 $0x40, s28  }
.Ltmp0:
0x101: {  	s4 =	sand.u32 $0xFC0, s26;
	[tilespmem:v11+s22+$0x0] =	vst.idx.msk vm0, v12;
	(pc) =	sbr.rel @p0 .LBB2_3-.Ltmp0, $3  }
0x102: {  	v11 =	vld [tilespmem:s4+$0x1000]  }
0x103: {  	v13 =	vld [tilespmem:s28+$0xFFFFEFE0];
	_ =	sdelay $0x1  }
0x104: {  	s29 =	sadd.s32 $0x40, s29;
	v12 =	vld [tilespmem:s4+$0x2000]  }
0x105: {  	_ = 	snop  }
0x106: {  	v14 =	vld [tilespmem:s29+$0xFFFFFFE0]  }
0x107: {  	v11 =	vmul.f32 v11, v8;
	v13 =	vmul.f32 v13, v7;
	_ =	sdelay $0x1  }
0x108: {  	v11 =	vadd.f32 v11, v13;
	v12 =	vmul.f32 v12, v9;
	_ =	sdelay $0x1  }
0x109: {  	v35 =	vadd.f32 v14, v10;
	v11 =	vadd.f32 v12, v11;
	_ =	sdelay $0x1  }
0x10a: {  	v11 =	vadd.f32 v11, v35;
	_ =	sdelay $0x1  }
0x10b: {  	vm0 =	vlt.f32 v11, $1.439999980e-02  }
0x10c: {  	v11 =	vsel vm0, $0x1, v1  }
0x10d: {  	(xrf0) =	vadd.scan.msk.s32 $0xffff, v11;
	_ =	sdelay $0x3  }
0x10e: {  	s16 =	spop (v2sf)  }
0x10f: {  	s31 =	sadd.s32 s0, s16  }
0x110: {  	s4 =	sadd.s32 $0xFFFFFFFF, s31;
	v11, _, _ =	vpop (xrf0)  }
0x111: {  	v36 =	vadd.s32 s4, v11  }
0x112: {  	vm1 =	vgt.s32 v36, $0x0  }
0x113: {  	vm2 =	vlt.s32 v36, $0x20;
	v12 =	vnsel vm1, $0x0, v36  }
0x114: {  	vm14 =	vmand vm0, vm2;
	v12 =	vmin.u32 v12, $0x1F  }
0x115: {  	v12 =	vor.u32 v6, v12;
	_ =	sdelay $0x3  }
0x116: {  	v37 =	vor.u32 s26, v0  }
0x117: {  	[tilespmem:v12+s22+$0x0] =	vst.idx.msk vm14, v37  }
0x118: {  	v12 =	vld [tilespmem:s28+$0xFFFFEFF0]  }
0x119: {  	v13 =	vld [tilespmem:s28+$0xFFFFFFF0];
	_ =	sdelay $0x1  }
0x11a: {  	v38 =	vld [tilespmem:s28+$0xFF0];
	_ =	sdelay $0x1  }
0x11b: {  	(v2sf) =	vpush v11, $0xF;
	v39 =	vld [tilespmem:s29+$0xFFFFFFF0]  }
0x11c: {  	v12 =	vmul.f32 v12, v7;
	v13 =	vmul.f32 v13, v8;
	_ =	sdelay $0x1  }
0x11d: {  	v40 =	vmul.f32 v38, v9;
	v12 =	vadd.f32 v13, v12;
	_ =	sdelay $0x1  }
0x11e: {  	v11 =	vadd.f32 v39, v10;
	v12 =	vadd.f32 v40, v12;
	_ =	sdelay $0x1  }
0x11f: {  	v11 =	vadd.f32 v12, v11  }
0x120: {  	v41 =	vor.u32 s26, v2  }
0x121: {  	v12 =	vnsel vm0, $0x80001000, v41;
	vm15 =	vlt.f32 v11, $1.439999980e-02  }
0x122: {  	(xrf0) =	vmin.scan.msk.u32 $0xffff, v12;
	v11 =	vsel vm15, $0x1, v1  }
0x123: {  	(xrf0) =	vadd.scan.msk.s32 $0xffff, v11;
	_ =	sdelay $0x2  }
0x124: {  	s19 =	spop (v2sf)  }
0x125: {  	s18 =	spop (v2sf)  }
0x126: {  	s17 =	sadd.s32 s31, s18;
	v42, _, _ =	vpop (xrf0)  }
0x127: {  	s5 =	sadd.s32 $0xFFFFFFFF, s17;
	v43, _, _ =	vpop (xrf0)  }
0x128: {  	v44 =	vadd.s32 s5, v43  }
0x129: {  	vm4 =	vgt.s32 v44, $0x0  }
0x12a: {  	vm5 =	vlt.s32 v44, $0x20;
	v13 =	vnsel vm4, $0x0, v44  }
0x12b: {  	vm6 =	vmand vm15, vm5;
	v13 =	vmin.u32 v13, $0x1F  }
0x12c: {  	v13 =	vor.u32 v6, v13;
	_ =	sdelay $0x2  }
0x12d: {  	s6 =	sadd.s32 $0x10, s26  }
0x12e: {  	v45 =	vor.u32 s6, v0  }
0x12f: {  	[tilespmem:v13+s22+$0x0] =	vst.idx.msk vm6, v45  }
0x130: {  	v13 =	vld [tilespmem:s28+$0xFFFFF000]  }
0x131: {  	v14 =	vld [tilespmem:s28+$0x0];
	_ =	sdelay $0x1  }
0x132: {  	v15 =	vld [tilespmem:s28+$0x1000]  }
0x133: {  	(v2sf) =	vpush v42, $0xF  }
0x134: {  	(v2sf) =	vpush v43, $0xF;
	v46 =	vld [tilespmem:s29+$0x0]  }
0x135: {  	v47 =	vmul.f32 v13, v7;
	v48 =	vmul.f32 v14, v8;
	_ =	sdelay $0x1  }
0x136: {  	v49 =	vmul.f32 v15, v9;
	v12 =	vadd.f32 v48, v47;
	_ =	sdelay $0x1  }
0x137: {  	v11 =	vadd.f32 v46, v10;
	v12 =	vadd.f32 v49, v12;
	_ =	sdelay $0x1  }
0x138: {  	v11 =	vadd.f32 v12, v11  }
0x139: {  	v50 =	vor.u32 s6, v2  }
0x13a: {  	v12 =	vnsel vm15, $0x80001000, v50;
	vm7 =	vlt.f32 v11, $1.439999980e-02  }
0x13b: {  	(xrf0) =	vmin.scan.msk.u32 $0xffff, v12;
	v11 =	vsel vm7, $0x1, v1  }
0x13c: {  	(xrf0) =	vadd.scan.msk.s32 $0xffff, v11;
	_ =	sdelay $0x2  }
0x13d: {  	s5 =	spop (v2sf)  }
0x13e: {  	s4 =	spop (v2sf)  }
0x13f: {  	s21 =	sadd.s32 s17, s4;
	v51, _, _ =	vpop (xrf0)  }
0x140: {  	s6 =	sadd.s32 $0xFFFFFFFF, s21;
	v52, _, _ =	vpop (xrf0)  }
0x141: {  	v53 =	vadd.s32 s6, v52  }
0x142: {  	vm8 =	vgt.s32 v53, $0x0  }
0x143: {  	vm9 =	vlt.s32 v53, $0x20;
	v13 =	vnsel vm8, $0x0, v53  }
0x144: {  	vm10 =	vmand vm7, vm9;
	v13 =	vmin.u32 v13, $0x1F  }
0x145: {  	v13 =	vor.u32 v6, v13;
	_ =	sdelay $0x2  }
0x146: {  	s6 =	sadd.s32 $0x20, s26  }
0x147: {  	v54 =	vor.u32 s6, v0  }
0x148: {  	[tilespmem:v13+s22+$0x0] =	vst.idx.msk vm10, v54  }
0x149: {  	v13 =	vld [tilespmem:s28+$0xFFFFF010]  }
0x14a: {  	v14 =	vld [tilespmem:s28+$0x10];
	_ =	sdelay $0x1  }
0x14b: {  	v55 =	vld [tilespmem:s28+$0x1010];
	_ =	sdelay $0x1  }
0x14c: {  	v16 =	vld [tilespmem:s29+$0x10]  }
0x14d: {  	v7 =	vmul.f32 v13, v7;
	v56 =	vmul.f32 v14, v8;
	_ =	sdelay $0x1  }
0x14e: {  	v57 =	vmul.f32 v55, v9;
	v7 =	vadd.f32 v56, v7;
	_ =	sdelay $0x1  }
0x14f: {  	v59 =	vor.u32 s6, v2;
	v58 =	vadd.f32 v16, v10;
	v7 =	vadd.f32 v57, v7  }
0x150: {  	v9 =	vnsel vm7, $0x80001000, v59  }
0x151: {  	(xrf0) =	vmin.scan.msk.u32 $0xffff, v9;
	v7 =	vadd.f32 v7, v58;
	_ =	sdelay $0x1  }
0x152: {  	vm11 =	vlt.f32 v7, $1.439999980e-02  }
0x153: {  	v7 =	vsel vm11, $0x1, v1;
	_ =	sdelay $0x1  }
0x154: {  	(xrf0) =	vadd.scan.msk.s32 $0xffff, v7  }
0x155: {  	(v2sf) =	vpush v51, $0xF;
	s26 =	sadd.s32 $0x30, s26;
	v7, _, _ =	vpop (xrf0)  }
0x156: {  	(v2sf) =	vpush v7, $0xF;
	v7 =	vor.u32 s26, v2  }
0x157: {  	v7 =	vnsel vm11, $0x80001000, v7;
	_ =	sdelay $0x1  }
0x158: {  	(v2sf) =	vpush v52, $0xF;
	(xrf0) =	vmin.scan.msk.u32 $0xffff, v7  }
0x159: {  	v7, _, _ =	vpop (xrf0)  }
0x15a: {  	(v2sf) =	vpush v7, $0xF;
	_ =	sdelay $0x3  }
0x15b: {  	v60, _, _ =	vpop (xrf0)  }
0x15c: {  	p0 =	seq.s32 s30, $0x0;
	(v2sf) =	vpush v60, $0xF  }
0x15d: {  	s1 =	smov.u32 @p0 s25  }
0x15e: {  	p0 =	sgt.s32 s16, $0x0;
	s16 =	smov.u32 s1;
	s6 =	sxor.u32 $0x80000000, s19  }
0x15f: {  	p1 =	seq.s32 s0, $0x0;
	s16 =	smov.u32 @p0 s6  }
0x160: {  	s1 =	smov.u32 @p1 s16  }
0x161: {  	s5 =	sxor.u32 $0x80000000, s5;
	p0 =	sgt.s32 s18, $0x0;
	s18 =	smov.u32 s1  }
0x162: {  	s18 =	smov.u32 @p0 s5;
	p0 =	seq.s32 s31, $0x0;
	s0 =	spop (v2sf)  }
0x163: {  	s1 =	smov.u32 @p0 s18;
	p0 =	sgt.s32 s4, $0x0;
	s19 =	spop (v2sf)  }
0x164: {  	s4 =	smov.u32 s1;
	s0 =	sxor.u32 $0x80000000, s0;
	s25 =	spop (v2sf)  }
0x165: {  	s4 =	smov.u32 @p0 s0;
	s28 =	sadd.s32 s21, s25  }
0x166: {  	p0 =	seq.s32 s17, $0x0;
	s29 =	sadd.s32 $0xFFFFFFFF, s28;
	s30 =	spop (v2sf)  }
0x167: {  	s1 =	smov.u32 @p0 s4;
	v7 =	vadd.s32 s29, v7;
	s18 =	sadd.s32 s28, s30  }
0x168: {  	s4 =	smov.u32 s1;
	vm12 =	vgt.s32 v7, $0x0;
	p1 =	slt.s32 s18, $0x20  }
0x169: {  	s0 =	sxor.u32 $0x80000000, s19;
	p0 =	sgt.s32 s25, $0x0;
	vm13 =	vlt.s32 v7, $0x20;
	v7 =	vnsel vm12, $0x0, v7;
	s18 =	simm.s32 @!p1 $0x20  }
0x16a: {  	s4 =	smov.u32 @p0 s0;
	p0 =	seq.s32 s21, $0x0;
	vm0 =	vmand vm11, vm13;
	v7 =	vmin.u32 v7, $0x1F;
	v61 =	vmov s18  }
0x16b: {  	s24 =	sadd.s32 $0x1, s24;
	s1 =	smov.u32 @p0 s4;
	v7 =	vor.u32 v6, v7;
	s31 =	spop (v2sf);
	vm14 =	vlt.s32 v61, v3  }
0x16c: {  	v62 =	vor.u32 v0, v6;
	s4 =	smov.u32 s1;
	p0 =	sgt.s32 s30, $0x0;
	vm15 =	vlt.s32 v61, v4;
	s0 =	sxor.u32 $0x80000000, s31  }
0x16d: {  	v6 =	vor.u32 v5, v6;
	s4 =	smov.u32 @p0 s0;
	p0 =	sne.s32 s24, $0x100  }
.Ltmp1:
0x16e: {  	p1 =	seq.s32 s28, $0x0;
	(pc) =	sbr.rel @p0 .LBB2_2-.Ltmp1, $4  }
0x16f: {  	v63 =	vor.u32 s26, v0;
	s1 =	smov.u32 @p1 s4  }
0x170: {  	[tilespmem:v7+s22+$0x0] =	vst.idx.msk vm0, v63;
	v7 =	vmov s1  }
0x171: {  	[tilespmem:v62+s22+$0x0] =	vst.idx.msk vm14, v7  }
0x172: {  	[tilespmem:v6+s22+$0x0] =	vst.idx.msk vm15, v7  }
0x173: {  	s23 =	sadd.s32 $0x1, s23  }
0x174: {  	p0 =	sne.s32 s23, s13  }
.Ltmp2:
0x175: {  	_ = 	snop;
	(pc) =	sbr.rel @p0 .LBB2_1-.Ltmp2, $4  }
0x176: {  	[hbm4b:s12+s2] =	stream.linear.scatter [tilespmem:s22], [sflag:$0x1], $0x2000, $0x38;
	[tilespmem:$0x7000] =	vst v63  }
0x177: {  	_ =	swait.ge [sflag:s14], $0x2000  }
0x178: {  	[sflag:s14] =	ssyncset.done $0x0  }
0x179: {  	[sflag:s14] =	ssyncadd.s32 $0xFFFFE000  }
0x17a: {  	_ =	sfence.sel $0x180000  }
0x17b: {  	[bflag:$0x0] =	sbarrier.arrive $0xFFFF  }
0x17c: {  	_ =	strace $0x90000047  }
0x17d: {  	s0 =	stileid.u32;
	[bflag:$0x2] =	sbarrier.arrive $0xFFFF  }
0x17e: {  	p0 =	sne.s32 s0, $0x0;
	s0 =	rddreg [dreg:$0x2]  }
0x17f: {  	s0 =	sadd.s32 @!p0 $0x100000, s0  }
0x180: {  	[sflag:s0] =	ssyncadd.tile.s32 @!p0 $0x1;
	_ =	shalt  }
.Lfunc_end2:
_tile_overlayer_lowered:
.L_overlay_start_2:
0x181: {  	(tag) =	ssettag $0x2  }
0x182: {  	s0 =	rddreg [dreg:$0x0];
	s2 =	stileid.u32  }
0x183: {  	s1 =	rddreg [dreg:$0x1];
	p0 =	sne.s32 s2, $0x0  }
0x184: {  	s3 =	rddreg [dreg:$0x2];
	[bflag:$0x3] =	sbarrier.arrive $0xFFFF;
	s2 =	simm.s32 @!p0 $0x1C01  }
0x185: {  	[timem:s3], [sflag:s2] =	dma.local @!p0 [hbm:s0], s1  }
0x186: {  	s0 =	simm.s32 @!p0 $0x1  }
0x187: {  	_ =	swait.ge @!p0 [sflag:s0], s1  }
0x188: {  	s1 =	ssub.s32 @!p0 $0x0, s1;
	[sflag:s0] =	ssyncset.done @!p0 $0x0  }
0x189: {  	[sflag:s0] =	ssyncadd.s32 @!p0 s1  }
0x18a: {  	[bflag:$0x3] =	sbarrier.arrive $0xFFFF  }
0x18b: {  	_ =	shalt  }

// kernel: kernel.7.cloned.1.call-start
scs
__scs_entry_jumppad:
0x0: {  	(pc) =	sbr.rel $0x88, $3  }
0x1: {  	(tag) =	ssettag $0x0;
	lr =	simm.s32 $0x1  }
0x2: {  	[smem:$0x3F9E] =	sst lr;
	_ =	strace $0xD0000000  }
0x3: {  	_ = 	snop  }
0x4: {  	_ = 	snop  }
0x5: {  	_ = 	snop  }
0x6: {  	_ = 	snop  }
0x7: {  	_ = 	snop  }
__scs_overlays_trampoline_lowered:
0x8: {  	[smem:$0x3FAD] =	sst s0  }
0x9: {  	[smem:$0x3FAE] =	sst s1  }
0xa: {  	[smem:$0x3FAF] =	sst s2  }
0xb: {  	[smem:$0x3FB0] =	sst s3  }
0xc: {  	[smem:$0x3FB1] =	sst s4  }
0xd: {  	[smem:$0x3FB2] =	sst s5  }
0xe: {  	[smem:$0x3FB3] =	sst s6  }
0xf: {  	[smem:$0x3FB4] =	sst s7  }
0x10: {  	[smem:$0x3FB5] =	sst s8  }
0x11: {  	[smem:$0x3FB6] =	sst s9;
	s0 =	simm.s32 @!p0 $0x0  }
0x12: {  	s1 =	sld [smem:$0x3F9C];
	s0 =	simm.s32 @p0 $0x1  }
0x13: {  	[smem:$0x3FB7] =	sst s0;
	s0 =	simm.s32 @!p1 $0x0  }
0x14: {  	s2 =	sld [smem:$0x3F9B];
	s0 =	simm.s32 @p1 $0x1  }
0x15: {  	[smem:$0x3FB8] =	sst s0;
	s0 =	simm.s32 @!p2 $0x0  }
0x16: {  	s3 =	sld [smem:$0x3FDB];
	s0 =	simm.s32 @p2 $0x1  }
0x17: {  	s4 =	simm.s32 $0x1BF5;
	[smem:$0x3FBA] =	sst s0  }
0x18: {  	s0 =	sld [smem:$0x3F9D];
	_ =	swait.ge [sflag:s4], $0x0  }
0x19: {  	s7 =	sld [smem:$0x3F9E]  }
0x1a: {  	s8 =	sadd.s32 $0xFFFFE003, lr  }
0x1b: {  	s9 =	sadd.s32 $0xFFFFFEF7, lr;
	s5 =	simm.s32 $0xFFFFFFFF;
	p2 =	slt.u32 s8, $0xFFFFF086  }
0x1c: {  	p1 =	slt.u32 s9, $0xF7A;
	s5 =	simm.s32 @!p2 $0x0  }
0x1d: {  	s5 =	simm.s32 @p1 $0x1;
	p0 =	seq.s32 s7, s2  }
0x1e: {  	s7 =	smul.u32 @!p0 $0xF7A, s2;
	p2 =	seq.s32 @!p0 s5, $0x0  }
0x1f: {  	s9 =	smul.u32 $0xF7A, s1;
	s8 =	simm.s32 @!p0 $0x1BF5;
	p2 =	por !p2, p0  }
0x20: {  	[sflag:s8] =	ssyncset.s32 @!p0 $0xFFFFF086;
	s6 =	sadd.s32 @!p0 s3, s7;
	s7 =	simm.s32 @!p0 $0x108  }
0x21: {  	s3 =	sadd.s32 s3, s9;
	s6 =	sadd.s32 @!p0 $0x88, s6;
	s7 =	simm.s32 @p2 $0x1082  }
0x22: {  	[simem:s7], [sflag:s8] =	dma.local @!p0 [hbm:s6], $0xF7A  }
0x23: {  	s9 =	sor.u32 $0xD0000000, s2;
	s6 =	simm.s32 $0x108;
	_ =	swait.ge @!p0 [sflag:s8], $0x0  }
0x24: {  	s3 =	sadd.s32 $0x88, s3;
	s6 =	simm.s32 @!p1 $0x1082;
	[sflag:s4] =	ssyncset.s32 $0xFFFFF086  }
0x25: {  	[simem:s6], [sflag:s4] =	dma.local [hbm:s3], $0xF7A  }
0x26: {  	[smem:$0x3F9E] =	sst s1;
	(tag) =	ssettag s2;
	_ =	strace s9  }
0x27: {  	s1 =	sld [smem:$0x3FAE]  }
0x28: {  	s2 =	sld [smem:$0x3FAF]  }
0x29: {  	s4 =	sld [smem:$0x3FB1]  }
0x2a: {  	p0 =	seq.s32 s5, $0x0;
	s5 =	sld [smem:$0x3FB2]  }
0x2b: {  	s6 =	sld [smem:$0x3FB3]  }
0x2c: {  	s7 =	sld [smem:$0x3FB4]  }
0x2d: {  	s3 =	simm.s32 $0x108;
	s8 =	sld [smem:$0x3FB5]  }
0x2e: {  	s3 =	simm.s32 @!p0 $0x1082;
	s9 =	sld [smem:$0x3FB6]  }
0x2f: {  	lr =	sadd.s32 s0, s3;
	s0 =	sld [smem:$0x3FAD]  }
0x30: {  	s3 =	sld [smem:$0x3FB0]  }
0x31: {  	[smem:$0x3FB9] =	sst s10  }
0x32: {  	s10 =	sld [smem:$0x3FB7];
	_ =	sdelay $0x3  }
0x33: {  	p0 =	seq.s32 s10, $0x1;
	s10 =	sld [smem:$0x3FB9];
	_ =	sdelay $0x3  }
0x34: {  	[smem:$0x3FB9] =	sst s10  }
0x35: {  	s10 =	sld [smem:$0x3FB8];
	_ =	sdelay $0x3  }
0x36: {  	p1 =	seq.s32 s10, $0x1;
	s10 =	sld [smem:$0x3FB9];
	_ =	sdelay $0x3  }
0x37: {  	[smem:$0x3FB9] =	sst s10  }
0x38: {  	s10 =	sld [smem:$0x3FBA]  }
0x39: {  	_ = 	snop;
	(pc) =	sbr.ind lr, $3  }
0x3a: {  	_ = 	snop  }
0x3b: {  	_ = 	snop  }
0x3c: {  	p2 =	seq.s32 s10, $0x1;
	s10 =	sld [smem:$0x3FB9]  }
0x3d: {  	_ =	shalt  }
0x3e: {  	_ =	shalt  }
0x3f: {  	_ =	shalt  }
0x40: {  	_ =	shalt  }
0x41: {  	_ =	shalt  }
0x42: {  	_ =	shalt  }
0x43: {  	_ =	shalt  }
0x44: {  	_ =	shalt  }
0x45: {  	_ =	shalt  }
0x46: {  	_ =	shalt  }
0x47: {  	_ =	shalt  }
0x48: {  	_ =	shalt  }
0x49: {  	_ =	shalt  }
0x4a: {  	_ =	shalt  }
0x4b: {  	_ =	shalt  }
0x4c: {  	_ =	shalt  }
0x4d: {  	_ =	shalt  }
0x4e: {  	_ =	shalt  }
0x4f: {  	_ =	shalt  }
0x50: {  	_ =	shalt  }
0x51: {  	_ =	shalt  }
0x52: {  	_ =	shalt  }
0x53: {  	_ =	shalt  }
0x54: {  	_ =	shalt  }
0x55: {  	_ =	shalt  }
0x56: {  	_ =	shalt  }
0x57: {  	_ =	shalt  }
0x58: {  	_ =	shalt  }
0x59: {  	_ =	shalt  }
0x5a: {  	_ =	shalt  }
0x5b: {  	_ =	shalt  }
0x5c: {  	_ =	shalt  }
0x5d: {  	_ =	shalt  }
0x5e: {  	_ =	shalt  }
0x5f: {  	_ =	shalt  }
0x60: {  	_ =	shalt  }
0x61: {  	_ =	shalt  }
0x62: {  	_ =	shalt  }
0x63: {  	_ =	shalt  }
0x64: {  	_ =	shalt  }
0x65: {  	_ =	shalt  }
0x66: {  	_ =	shalt  }
0x67: {  	_ =	shalt  }
0x68: {  	_ =	shalt  }
0x69: {  	_ =	shalt  }
0x6a: {  	_ =	shalt  }
0x6b: {  	_ =	shalt  }
0x6c: {  	_ =	shalt  }
0x6d: {  	_ =	shalt  }
0x6e: {  	_ =	shalt  }
0x6f: {  	_ =	shalt  }
0x70: {  	_ =	shalt  }
0x71: {  	_ =	shalt  }
0x72: {  	_ =	shalt  }
0x73: {  	_ =	shalt  }
0x74: {  	_ =	shalt  }
0x75: {  	_ =	shalt  }
0x76: {  	_ =	shalt  }
0x77: {  	_ =	shalt  }
0x78: {  	_ =	shalt  }
0x79: {  	_ =	shalt  }
0x7a: {  	_ =	shalt  }
0x7b: {  	_ =	shalt  }
0x7c: {  	_ =	shalt  }
0x7d: {  	_ =	shalt  }
0x7e: {  	_ =	shalt  }
0x7f: {  	_ =	shalt  }
0x80: {  	_ =	shalt  }
0x81: {  	_ =	shalt  }
0x82: {  	_ =	shalt  }
0x83: {  	_ =	shalt  }
0x84: {  	_ =	shalt  }
0x85: {  	_ =	shalt  }
0x86: {  	_ =	shalt  }
0x87: {  	_ =	shalt  }
.Lfunc_end0:
.L_simem_size_0:
called_computation.2_lowered:
.L_overlay_start_0:
0x88: {  	s2 =	sld [smem:$0x3FD9]  }
0x89: {  	s3 =	sld [smem:$0x3FFE];
	_ =	sdelay $0x1  }
0x8a: {  	s1 =	srdreg.scid  }
0x8b: {  	s0 =	sand.u32 $0x1, s1  }
0x8c: {  	s17 =	sshll.u32 s0, $0xA;
	s2 =	sadd.s32 s3, s2  }
0x8d: {  	s2 =	sadd.s32 s2, s17  }
0x8e: {  	[smem:$0x3FC5] =	sst s2  }
0x8f: {  	_ = 	snop  }
0x90: {  	s2 =	sld [smem:$0x3FD0];
	(tm) =	ssettm $0x1  }
0x91: {  	s18 =	sld [smem:$0x3FFB];
	_ =	sdelay $0x3  }
0x92: {  	_ =	strace s18  }
0x93: {  	s3 =	sld [smem:$0x3FFC];
	_ =	sdelay $0x3  }
0x94: {  	_ =	strace s3  }
0x95: {  	s3 =	sld [smem:$0x3FFD];
	_ =	sdelay $0x3  }
0x96: {  	_ =	strace s3  }
0x97: {  	_ =	strace $0x8FFFFFFF  }
0x98: {  	s19 =	sld [smem:$0x3FDB];
	_ =	sdelay $0x1  }
0x99: {  	s4 =	simm.s32 $_scs_section_size  }
0x9a: {  	s5 =	simm.s32 $_size__tile_overlayer_lowered;
	s6 =	simm.s32 $_tile_overlayer_lowered  }
0x9b: {  	s22 =	simm.s32 $0x1BFF;
	s21 =	sshll.u32 s6, $0x1;
	s3 =	sadd.s32 s4, s19  }
0x9c: {  	s7 =	simm.s32 $0x0;
	s20 =	sshll.u32 s5, $0x1;
	s5 =	sadd.s32 s21, s3  }
0x9d: {  	[timem:s7], [sflag:s22] =	dma.local [hbm:s5], s20  }
0x9e: {  	_ =	swait.ge [sflag:s22], s20  }
0x9f: {  	s4 =	ssub.s32 $0x0, s20;
	[sflag:s22] =	ssyncset.done $0x0  }
0xa0: {  	[sflag:s22] =	ssyncadd.s32 s4;
	_ =	sdelay $0x1  }
0xa1: {  	s23 =	simm.s32 $0x1B8B  }
0xa2: {  	_ =	swait.ge [sflag:s23], $0x1  }
0xa3: {  	[sflag:s23] =	ssyncset.done $0x0  }
0xa4: {  	s25 =	simm.s32 $0x1B8E;
	s24 =	sld [smem:$0x3FFE];
	[sflag:s23] =	ssyncadd.s32 $0xFFFFFFFF  }
0xa5: {  	s26 =	simm.s32 $execute0_lowered;
	[smem:$0x3FD2] =	sst s25  }
0xa6: {  	s5 =	sshll.u32 s26, $0x1;
	_ =	strace $0x80000049;
	[dreg:$0x1] =	wrdreg $0xFFFFFFFF  }
0xa7: {  	s28 =	simm.s32 $_size_execute0_lowered;
	s3 =	sadd.s32 s3, s5;
	[dreg:$0x0] =	wrdreg $0x0  }
0xa8: {  	s5 =	sshll.u32 s28, $0x1;
	[dreg:$0x2] =	wrdreg s3  }
0xa9: {  	[dreg:$0x3] =	wrdreg s5  }
0xaa: {  	[dreg:$0x4] =	wrdreg $0xC0  }
0xab: {  	_ =	task [dreg:s7], $0x5FFFF  }
0xac: {  	[dreg:$0x1] =	wrdreg $0xFFFFFFFF  }
0xad: {  	[dreg:$0x0] =	wrdreg $0x60  }
0xae: {  	[dreg:$0x2] =	wrdreg s24  }
0xaf: {  	[dreg:$0x3] =	wrdreg s2  }
0xb0: {  	[dreg:$0x4] =	wrdreg $0x9  }
0xb1: {  	_ =	task.clear_ibuf [dreg:s7], $0x5FFFF;
	_ =	strace $0x90000049  }
0xb2: {  	s29 =	simm.s32 $0x9;
	_ =	strace $0x8000004B  }
0xb3: {  	_ =	swait.ge [sflag:s29], $0x1  }
0xb4: {  	[sflag:s29] =	ssyncadd.s32 $0xFFFFFFFF  }
0xb5: {  	_ =	strace $0x9000004B  }
0xb6: {  	_ =	sfence  }
0xb7: {  	s30 =	sld [smem:$0x0];
	_ =	sdelay $0x2  }
0xb8: {  	s31 =	sshll.u32 s1, $0xD;
	s1 =	sshrl.u32 s1, $0x2  }
0xb9: {  	s3 =	sand.u32 $0x4000, s31;
	s1 =	sadd.s32 s1, s30  }
0xba: {  	s0 =	sor.u32 s3, s0;
	s1 =	sshll.u32 s1, $0x11  }
0xbb: {  	s0 =	sor.u32 s1, s0  }
0xbc: {  	s0 =	sadd.s32 $0x8F2B, s0  }
0xbd: {  	[sflag:s0] =	ssyncadd.remote.s32 $0x1  }
0xbe: {  	_ =	sfence.sel $0xFFFF  }
0xbf: {  	[dreg:$0x0] =	wrdreg $0xFFFFFFFF;
	(pc) =	sbr.abs _section_cstart, $3  }
0xc0: {  	[dreg:$0x1] =	wrdreg $0xFFFFFFFF  }
0xc1: {  	_ =	task.clear_ibuf [dreg:s7], $0x2FFFF;
	_ =	strace $0x9FFFFFFF  }
0xc2: {  	(tm) =	ssettm $0x7FFFFFFF  }
0xc3: {  	_ =	shalt  }
tec
execute0_lowered:
.L_overlay_start_1:
0x0: {  	(tag) =	ssettag $0x1  }
0x1: {  	s0 =	rddreg [dreg:$0x0]  }
0x2: {  	s1 =	rddreg [dreg:$0x1]  }
0x3: {  	s3 =	simm.s32 $0x0;
	s6 =	stileid.u32;
	s4 =	srdreg.scid  }
0x4: {  	s28 =	simm.s32 $0x5C00;
	s29 =	simm.s32 $0x0;
	s12 =	sshrl.u32 s6, $0x1  }
0x5: {  	[smem:$0x7FF] =	sst s3;
	s2 =	sadd.s32 $0xA600, s0;
	s8 =	smul.u32 $0x3, s12  }
0x6: {  	s4 =	sand.u32 $0x1, s4;
	s6 =	sshll.u32 s6, $0x1;
	s7 =	smul.u32 $0x600, s12  }
0x7: {  	s9 =	sadd.s32 $0xB200, s0;
	_ =	strace $0x8000004A;
	s21 =	smul.u32 $0x180, s12  }
0x8: {  	s5 =	sshll.u32 s12, $0x10;
	s19 =	sor.u32 s4, s6;
	s11 =	smul.u32 $0x418000, s12  }
0x9: {  	s4 =	ssub.s32 $0x2, s4;
	s16 =	smul.u32 $0x83, s12;
	s15 =	sadd.s32 s5, s0  }
0xa: {  	s6 =	sshll.u32 s19, $0xA;
	s20 =	sshrl.u32 s4, $0x1;
	s18 =	sand.u32 $0x3, s19  }
0xb: {  	s19 =	simm.s32 $0x1;
	s0 =	sadd.s32 s6, s0;
	s17 =	ssub.s32 s4, s20  }
0xc: {  	s10 =	sadd.s32 $0x1, s8;
	s4 =	sadd.s32 s9, s7;
	s5 =	sadd.s32 s2, s21  }
0xd: {  	s8 =	sadd.s32 $0x2, s8;
	s15 =	sadd.s32 $0xE200, s15;
	s16 =	sadd.s32 $0x3, s16  }
0xe: {  	s20 =	simm.s32 $0x3000;
	s22 =	sshll.u32 s10, $0x9;
	s23 =	sshll.u32 s10, $0x7  }
0xf: {  	s24 =	sshll.u32 s8, $0x9;
	s13 =	sshll.u32 s8, $0x7;
	s8 =	sshll.u32 s18, $0xD  }
0x10: {  	s17 =	smax.u32 s17, $0x1;
	s18 =	sshll.u32 s18, $0x8;
	s6 =	sadd.s32 s9, s22  }
0x11: {  	s7 =	sadd.s32 s2, s23;
	s9 =	sadd.s32 s9, s24;
	s10 =	sadd.s32 s2, s13  }
0x12: {  	s25 =	sor.u32 s11, s8;
	s11 =	sadd.s32 $0x2600, s0;
	s22 =	simm.s32 $0x3400  }
0x13: {  	v0 =	vlaneseq.u32;
	s23 =	simm.s32 $0x2000;
	s24 =	simm.s32 $0x3800;
	s26 =	sshrl.u32 s25, $0x3  }
0x14: {  	v1 =	vor.u32 $0x10, v0;
	s30 =	sadd.s32 $0x8000, s25;
	s2 =	sadd.s32 $0x10000, s25;
	s25 =	simm.s32 $0x3C00  }
0x15: {  	v2 =	vor.u32 $0x20, v0;
	v3 =	vor.u32 $0x30, v0;
	v4 =	vor.u32 $0x40, v0;
	s13 =	sshrl.u32 s30, $0x3;
	s12 =	sadd.s32 s1, s26;
	s31 =	sshrl.u32 s2, $0x3  }
0x16: {  	v5 =	vor.u32 $0x50, v0;
	v6 =	vor.u32 $0x60, v0;
	v7 =	vor.u32 $0x70, v0;
	s26 =	simm.s32 $0x6C00;
	s13 =	sadd.s32 s1, s13;
	s14 =	sadd.s32 s1, s31  }
.LBB2_1:
0x17: {  	[tilespmem:s3], [sflag:$0x1] =	stream.linear.gather [hbm4b:s4+s3], $0x1000, $0x38;
	[tilespmem:$0x8C00] =	vst v63  }
0x18: {  	_ =	swait.ge [sflag:s19], $0x1000  }
0x19: {  	[sflag:s19] =	ssyncset.done $0x0  }
0x1a: {  	[sflag:s19] =	ssyncadd.s32 $0xFFFFF000  }
0x1b: {  	[tilespmem:s20], [sflag:$0x1] =	stream.linear.gather [hbm4b:s5+s3], $0x400, $0x38;
	[tilespmem:$0x8C00] =	vst v63  }
0x1c: {  	_ =	swait.ge [sflag:s19], $0x400  }
0x1d: {  	[sflag:s19] =	ssyncset.done $0x0  }
0x1e: {  	s0 =	simm.s32 $0x1000;
	[sflag:s19] =	ssyncadd.s32 $0xFFFFFC00  }
0x1f: {  	[tilespmem:s0], [sflag:$0x1] =	stream.linear.gather [hbm4b:s6+s3], $0x1000, $0x38;
	[tilespmem:$0x8C00] =	vst v63  }
0x20: {  	_ =	swait.ge [sflag:s19], $0x1000  }
0x21: {  	[sflag:s19] =	ssyncset.done $0x0  }
0x22: {  	[sflag:s19] =	ssyncadd.s32 $0xFFFFF000  }
0x23: {  	[tilespmem:s22], [sflag:$0x1] =	stream.linear.gather [hbm4b:s7+s3], $0x400, $0x38;
	[tilespmem:$0x8C00] =	vst v63  }
0x24: {  	_ =	swait.ge [sflag:s19], $0x400  }
0x25: {  	[sflag:s19] =	ssyncset.done $0x0  }
0x26: {  	[sflag:s19] =	ssyncadd.s32 $0xFFFFFC00  }
0x27: {  	[tilespmem:s23], [sflag:$0x1] =	stream.linear.gather [hbm4b:s9+s3], $0x1000, $0x38;
	[tilespmem:$0x8C00] =	vst v63  }
0x28: {  	_ =	swait.ge [sflag:s19], $0x1000  }
0x29: {  	[sflag:s19] =	ssyncset.done $0x0  }
0x2a: {  	[sflag:s19] =	ssyncadd.s32 $0xFFFFF000  }
0x2b: {  	[tilespmem:s24], [sflag:$0x1] =	stream.linear.gather [hbm4b:s10+s3], $0x400, $0x38;
	[tilespmem:$0x8C00] =	vst v63  }
0x2c: {  	_ =	swait.ge [sflag:s19], $0x400  }
0x2d: {  	[sflag:s19] =	ssyncset.done $0x0  }
0x2e: {  	[sflag:s19] =	ssyncadd.s32 $0xFFFFFC00  }
0x2f: {  	[tilespmem:s25], [sflag:$0x1] =	stream.linear.gather [hbm4b:s11+s3], $0x2000, $0x38;
	[tilespmem:$0x8C00] =	vst v63  }
0x30: {  	_ =	swait.ge [sflag:s19], $0x2000  }
0x31: {  	s2 =	simm.s32 $0x30;
	[sflag:s19] =	ssyncset.done $0x0  }
0x32: {  	s21 =	simm.s32 $0x3C20;
	s0 =	simm.s32 $0xFFFFFFFE;
	[sflag:s19] =	ssyncadd.s32 $0xFFFFE000  }
.LBB2_2:
0x33: {  	v8 =	vld [tilespmem:s21+$0xFFFFFFE0]  }
0x34: {  	s30 =	sadd.s32 s0, s18  }
0x35: {  	s31 =	sadd.s32 $0x2, s30  }
0x36: {  	v9 =	vmov s31  }
0x37: {  	v9 =	vand.u32 $0xFFFFFFFE, v9  }
0x38: {  	v9 =	vbroadcast v9, $0x0;
	vm0 =	vgt.s32 v8, $0x0  }
0x39: {  	v8 =	vnsel vm0, $0x0, v8  }
0x3a: {  	v8 =	vmin.u32 v8, $0xFFF;
	_ =	sdelay $0x3  }
0x3b: {  	v9 =	vld.idx.msk [tilespmem:v9+s20+$0x0], $0xffff  }
0x3c: {  	v8 =	vld.idx.msk [tilespmem:v8+s3+$0x0], $0xffff  }
0x3d: {  	s31 =	sadd.s32 $0xFFFFFFD0, s2  }
0x3e: {  	v10 =	vor.u32 s31, v0;
	_ =	sdelay $0x2  }
0x3f: {  	v8 =	vsub.f32 v8, v9;
	_ =	sdelay $0x1  }
0x40: {  	[tilespmem:v10+s26+$0x0] =	vst.idx.msk $0xffff, v8  }
0x41: {  	v8 =	vld [tilespmem:s21+$0xFFFFFFF0];
	_ =	sdelay $0x4  }
0x42: {  	vm13 =	vgt.s32 v8, $0x0  }
0x43: {  	v8 =	vnsel vm13, $0x0, v8  }
0x44: {  	v8 =	vmin.u32 v8, $0xFFF;
	_ =	sdelay $0x4  }
0x45: {  	v8 =	vld.idx.msk [tilespmem:v8+s3+$0x0], $0xffff  }
0x46: {  	s31 =	sadd.s32 $0xFFFFFFE0, s2  }
0x47: {  	v60 =	vor.u32 s31, v0;
	_ =	sdelay $0x2  }
0x48: {  	v8 =	vsub.f32 v8, v9;
	_ =	sdelay $0x1  }
0x49: {  	[tilespmem:v60+s26+$0x0] =	vst.idx.msk $0xffff, v8  }
0x4a: {  	v8 =	vld [tilespmem:s21+$0x0];
	_ =	sdelay $0x4  }
0x4b: {  	s30 =	sadd.s32 $0x3, s30;
	vm14 =	vgt.s32 v8, $0x0  }
0x4c: {  	v61 =	vmov s30;
	v8 =	vnsel vm14, $0x0, v8  }
0x4d: {  	v8 =	vmin.u32 v8, $0xFFF;
	_ =	sdelay $0x3  }
0x4e: {  	v9 =	vld.idx.msk [tilespmem:v61+s20+$0x0], $0xffff  }
0x4f: {  	v8 =	vld.idx.msk [tilespmem:v8+s3+$0x0], $0xffff  }
0x50: {  	s31 =	sadd.s32 $0xFFFFFFF0, s2  }
0x51: {  	v62 =	vor.u32 s31, v0;
	_ =	sdelay $0x2  }
0x52: {  	v8 =	vsub.f32 v8, v9;
	_ =	sdelay $0x1  }
0x53: {  	[tilespmem:v62+s26+$0x0] =	vst.idx.msk $0xffff, v8  }
0x54: {  	v8 =	vld [tilespmem:s21+$0x10];
	_ =	sdelay $0x4  }
0x55: {  	vm15 =	vgt.s32 v8, $0x0  }
0x56: {  	v8 =	vnsel vm15, $0x0, v8  }
0x57: {  	v8 =	vmin.u32 v8, $0xFFF;
	_ =	sdelay $0x4  }
0x58: {  	v8 =	vld.idx.msk [tilespmem:v8+s3+$0x0], $0xffff  }
0x59: {  	s0 =	sadd.s32 $0x2, s0  }
0x5a: {  	v63 =	vor.u32 s2, v0;
	p0 =	slt.u32 s0, $0xFE  }
.Ltmp0:
0x5b: {  	_ = 	snop;
	(pc) =	sbr.rel @p0 .LBB2_2-.Ltmp0, $3  }
0x5c: {  	_ = 	snop  }
0x5d: {  	v8 =	vsub.f32 v8, v9;
	_ =	sdelay $0x1  }
0x5e: {  	s2 =	sadd.s32 $0x40, s2;
	s21 =	sadd.s32 $0x40, s21;
	[tilespmem:v63+s26+$0x0] =	vst.idx.msk $0xffff, v8  }
0x5f: {  	[hbm4b:s12+s3] =	stream.linear.scatter [tilespmem:s26], [sflag:$0x1], $0x2000, $0x38;
	[tilespmem:$0x8C00] =	vst v63  }
0x60: {  	_ =	swait.ge [sflag:s19], $0x2000  }
0x61: {  	s0 =	simm.s32 $0xFFFFFFFE;
	[sflag:s19] =	ssyncset.done $0x0  }
0x62: {  	s2 =	simm.s32 $0x30;
	s21 =	simm.s32 $0x3C20;
	[sflag:s19] =	ssyncadd.s32 $0xFFFFE000  }
.LBB2_4:
0x63: {  	v8 =	vld [tilespmem:s21+$0xFFFFFFE0];
	_ =	sdelay $0x1  }
0x64: {  	s30 =	sadd.s32 s0, s18  }
0x65: {  	s31 =	sadd.s32 $0x402, s30  }
0x66: {  	v9 =	vmov s31  }
0x67: {  	v9 =	vand.u32 $0xFFFFFFFE, v9;
	vm0 =	vgt.s32 v8, $0x0  }
0x68: {  	v9 =	vbroadcast v9, $0x0;
	v8 =	vnsel vm0, $0x0, v8  }
0x69: {  	v8 =	vmin.u32 v8, $0xFFF  }
0x6a: {  	v8 =	vor.u32 $0x1000, v8;
	_ =	sdelay $0x3  }
0x6b: {  	v9 =	vld.idx.msk [tilespmem:v9+s20+$0x0], $0xffff  }
0x6c: {  	v8 =	vld.idx.msk [tilespmem:v8+s3+$0x0], $0xffff  }
0x6d: {  	s31 =	sadd.s32 $0xFFFFFFD0, s2  }
0x6e: {  	v10 =	vor.u32 s31, v0;
	_ =	sdelay $0x2  }
0x6f: {  	v8 =	vsub.f32 v8, v9;
	_ =	sdelay $0x1  }
0x70: {  	[tilespmem:v10+s26+$0x0] =	vst.idx.msk $0xffff, v8  }
0x71: {  	v8 =	vld [tilespmem:s21+$0xFFFFFFF0];
	_ =	sdelay $0x4  }
0x72: {  	vm13 =	vgt.s32 v8, $0x0  }
0x73: {  	v8 =	vnsel vm13, $0x0, v8  }
0x74: {  	v8 =	vmin.u32 v8, $0xFFF  }
0x75: {  	v8 =	vor.u32 $0x1000, v8;
	_ =	sdelay $0x4  }
0x76: {  	v8 =	vld.idx.msk [tilespmem:v8+s3+$0x0], $0xffff  }
0x77: {  	s31 =	sadd.s32 $0xFFFFFFE0, s2  }
0x78: {  	v60 =	vor.u32 s31, v0;
	_ =	sdelay $0x2  }
0x79: {  	v8 =	vsub.f32 v8, v9;
	_ =	sdelay $0x1  }
0x7a: {  	[tilespmem:v60+s26+$0x0] =	vst.idx.msk $0xffff, v8  }
0x7b: {  	v8 =	vld [tilespmem:s21+$0x0];
	_ =	sdelay $0x4  }
0x7c: {  	vm14 =	vgt.s32 v8, $0x0  }
0x7d: {  	s30 =	sadd.s32 $0x403, s30;
	v8 =	vnsel vm14, $0x0, v8  }
0x7e: {  	v61 =	vmov s30;
	v8 =	vmin.u32 v8, $0xFFF  }
0x7f: {  	v8 =	vor.u32 $0x1000, v8;
	_ =	sdelay $0x3  }
0x80: {  	v9 =	vld.idx.msk [tilespmem:v61+s20+$0x0], $0xffff  }
0x81: {  	v8 =	vld.idx.msk [tilespmem:v8+s3+$0x0], $0xffff  }
0x82: {  	s31 =	sadd.s32 $0xFFFFFFF0, s2  }
0x83: {  	v62 =	vor.u32 s31, v0;
	_ =	sdelay $0x2  }
0x84: {  	v8 =	vsub.f32 v8, v9;
	_ =	sdelay $0x1  }
0x85: {  	[tilespmem:v62+s26+$0x0] =	vst.idx.msk $0xffff, v8  }
0x86: {  	v8 =	vld [tilespmem:s21+$0x10];
	_ =	sdelay $0x4  }
0x87: {  	vm15 =	vgt.s32 v8, $0x0  }
0x88: {  	v8 =	vnsel vm15, $0x0, v8  }
0x89: {  	v8 =	vmin.u32 v8, $0xFFF  }
0x8a: {  	v8 =	vor.u32 $0x1000, v8;
	_ =	sdelay $0x4  }
0x8b: {  	v8 =	vld.idx.msk [tilespmem:v8+s3+$0x0], $0xffff  }
0x8c: {  	s0 =	sadd.s32 $0x2, s0  }
0x8d: {  	v63 =	vor.u32 s2, v0;
	p0 =	slt.u32 s0, $0xFE  }
.Ltmp1:
0x8e: {  	_ = 	snop;
	(pc) =	sbr.rel @p0 .LBB2_4-.Ltmp1, $3  }
0x8f: {  	_ = 	snop  }
0x90: {  	v8 =	vsub.f32 v8, v9;
	_ =	sdelay $0x1  }
0x91: {  	s2 =	sadd.s32 $0x40, s2;
	s21 =	sadd.s32 $0x40, s21;
	[tilespmem:v63+s26+$0x0] =	vst.idx.msk $0xffff, v8  }
0x92: {  	[hbm4b:s13+s3] =	stream.linear.scatter [tilespmem:s26], [sflag:$0x1], $0x2000, $0x38;
	[tilespmem:$0x8C00] =	vst v63  }
0x93: {  	_ =	swait.ge [sflag:s19], $0x2000  }
0x94: {  	s0 =	simm.s32 $0xFFFFFFFE;
	[sflag:s19] =	ssyncset.done $0x0  }
0x95: {  	s2 =	simm.s32 $0x30;
	s21 =	simm.s32 $0x3C20;
	[sflag:s19] =	ssyncadd.s32 $0xFFFFE000  }
.LBB2_6:
0x96: {  	v8 =	vld [tilespmem:s21+$0xFFFFFFE0];
	_ =	sdelay $0x1  }
0x97: {  	s30 =	sadd.s32 s0, s18  }
0x98: {  	s31 =	sadd.s32 $0x802, s30  }
0x99: {  	v9 =	vmov s31  }
0x9a: {  	v9 =	vand.u32 $0xFFFFFFFE, v9;
	vm0 =	vgt.s32 v8, $0x0  }
0x9b: {  	v9 =	vbroadcast v9, $0x0;
	v8 =	vnsel vm0, $0x0, v8  }
0x9c: {  	v8 =	vmin.u32 v8, $0xFFF  }
0x9d: {  	v8 =	vor.u32 $0x2000, v8;
	_ =	sdelay $0x3  }
0x9e: {  	v9 =	vld.idx.msk [tilespmem:v9+s20+$0x0], $0xffff  }
0x9f: {  	v8 =	vld.idx.msk [tilespmem:v8+s3+$0x0], $0xffff  }
0xa0: {  	s31 =	sadd.s32 $0xFFFFFFD0, s2  }
0xa1: {  	v10 =	vor.u32 s31, v0;
	_ =	sdelay $0x2  }
0xa2: {  	v8 =	vsub.f32 v8, v9;
	_ =	sdelay $0x1  }
0xa3: {  	[tilespmem:v10+s26+$0x0] =	vst.idx.msk $0xffff, v8  }
0xa4: {  	v8 =	vld [tilespmem:s21+$0xFFFFFFF0];
	_ =	sdelay $0x4  }
0xa5: {  	vm13 =	vgt.s32 v8, $0x0  }
0xa6: {  	v8 =	vnsel vm13, $0x0, v8  }
0xa7: {  	v8 =	vmin.u32 v8, $0xFFF  }
0xa8: {  	v8 =	vor.u32 $0x2000, v8;
	_ =	sdelay $0x4  }
0xa9: {  	v8 =	vld.idx.msk [tilespmem:v8+s3+$0x0], $0xffff  }
0xaa: {  	s31 =	sadd.s32 $0xFFFFFFE0, s2  }
0xab: {  	v60 =	vor.u32 s31, v0;
	_ =	sdelay $0x2  }
0xac: {  	v8 =	vsub.f32 v8, v9;
	_ =	sdelay $0x1  }
0xad: {  	[tilespmem:v60+s26+$0x0] =	vst.idx.msk $0xffff, v8  }
0xae: {  	v8 =	vld [tilespmem:s21+$0x0];
	_ =	sdelay $0x4  }
0xaf: {  	vm14 =	vgt.s32 v8, $0x0  }
0xb0: {  	s30 =	sadd.s32 $0x803, s30;
	v8 =	vnsel vm14, $0x0, v8  }
0xb1: {  	v61 =	vmov s30;
	v8 =	vmin.u32 v8, $0xFFF  }
0xb2: {  	v8 =	vor.u32 $0x2000, v8;
	_ =	sdelay $0x3  }
0xb3: {  	v9 =	vld.idx.msk [tilespmem:v61+s20+$0x0], $0xffff  }
0xb4: {  	v8 =	vld.idx.msk [tilespmem:v8+s3+$0x0], $0xffff  }
0xb5: {  	s31 =	sadd.s32 $0xFFFFFFF0, s2  }
0xb6: {  	v62 =	vor.u32 s31, v0;
	_ =	sdelay $0x2  }
0xb7: {  	v8 =	vsub.f32 v8, v9;
	_ =	sdelay $0x1  }
0xb8: {  	[tilespmem:v62+s26+$0x0] =	vst.idx.msk $0xffff, v8  }
0xb9: {  	v8 =	vld [tilespmem:s21+$0x10];
	_ =	sdelay $0x4  }
0xba: {  	vm15 =	vgt.s32 v8, $0x0  }
0xbb: {  	v8 =	vnsel vm15, $0x0, v8  }
0xbc: {  	v8 =	vmin.u32 v8, $0xFFF  }
0xbd: {  	v8 =	vor.u32 $0x2000, v8;
	_ =	sdelay $0x4  }
0xbe: {  	v8 =	vld.idx.msk [tilespmem:v8+s3+$0x0], $0xffff  }
0xbf: {  	s0 =	sadd.s32 $0x2, s0  }
0xc0: {  	v63 =	vor.u32 s2, v0;
	p0 =	slt.u32 s0, $0xFE  }
.Ltmp2:
0xc1: {  	_ = 	snop;
	(pc) =	sbr.rel @p0 .LBB2_6-.Ltmp2, $3  }
0xc2: {  	_ = 	snop  }
0xc3: {  	v8 =	vsub.f32 v8, v9;
	_ =	sdelay $0x1  }
0xc4: {  	s2 =	sadd.s32 $0x40, s2;
	s21 =	sadd.s32 $0x40, s21;
	[tilespmem:v63+s26+$0x0] =	vst.idx.msk $0xffff, v8  }
0xc5: {  	s30 =	simm.s32 $0x0  }
0xc6: {  	[hbm4b:s14+s30] =	stream.linear.scatter [tilespmem:s26], [sflag:$0x1], $0x2000, $0x38;
	[tilespmem:$0x8C00] =	vst v63  }
0xc7: {  	_ =	swait.ge [sflag:s19], $0x2000  }
0xc8: {  	[sflag:s19] =	ssyncset.done $0x0  }
0xc9: {  	s31 =	simm.s32 $0x0;
	[sflag:s19] =	ssyncadd.s32 $0xFFFFE000  }
.LBB2_8:
0xca: {  	s0 =	sshll.u32 s31, $0x9  }
0xcb: {  	s0 =	sadd.s32 s0, s15  }
0xcc: {  	[tilespmem:s28], [sflag:$0x1] =	stream.linear.gather [hbm4b:s0+s30], $0x1000, $0x38;
	[tilespmem:$0x8C00] =	vst v63  }
0xcd: {  	_ =	swait.ge [sflag:s19], $0x1000  }
0xce: {  	s2 =	simm.s32 $0x3C40;
	[sflag:s19] =	ssyncset.done $0x0  }
0xcf: {  	s21 =	simm.s32 $0x0;
	s0 =	simm.s32 $0xFFFFFFFC;
	[sflag:s19] =	ssyncadd.s32 $0xFFFFF000  }
.LBB2_9:
0xd0: {  	v8 =	vld [tilespmem:s2+$0xFFFFFFC0];
	_ =	sdelay $0x4  }
0xd1: {  	vm0 =	vgt.s32 v8, $0x0  }
0xd2: {  	v8 =	vnsel vm0, $0x0, v8  }
0xd3: {  	v9 =	vmov s21;
	v8 =	vmin.u32 v8, $0xFFF  }
0xd4: {  	v9 =	vshrl.u32 v9, $0x7  }
0xd5: {  	v9 =	vshll.u32 v9, $0x7  }
0xd6: {  	v9 =	vbroadcast v9, $0x0;
	_ =	sdelay $0x1  }
0xd7: {  	v10 =	vor.u32 v0, v9;
	v8 =	vld.idx.msk [tilespmem:v8+s28+$0x0], $0xffff;
	_ =	sdelay $0x4  }
0xd8: {  	[tilespmem:v10+s26+$0x0] =	vst.idx.msk $0xffff, v8  }
0xd9: {  	v8 =	vld [tilespmem:s2+$0xFFFFFFD0];
	_ =	sdelay $0x4  }
0xda: {  	vm9 =	vgt.s32 v8, $0x0  }
0xdb: {  	v8 =	vnsel vm9, $0x0, v8  }
0xdc: {  	v8 =	vmin.u32 v8, $0xFFF;
	_ =	sdelay $0x4  }
0xdd: {  	v58 =	vor.u32 v1, v9;
	v8 =	vld.idx.msk [tilespmem:v8+s28+$0x0], $0xffff;
	_ =	sdelay $0x4  }
0xde: {  	[tilespmem:v58+s26+$0x0] =	vst.idx.msk $0xffff, v8  }
0xdf: {  	v8 =	vld [tilespmem:s2+$0xFFFFFFE0];
	_ =	sdelay $0x4  }
0xe0: {  	vm10 =	vgt.s32 v8, $0x0  }
0xe1: {  	v8 =	vnsel vm10, $0x0, v8  }
0xe2: {  	v8 =	vmin.u32 v8, $0xFFF;
	_ =	sdelay $0x4  }
0xe3: {  	v59 =	vor.u32 v2, v9;
	v8 =	vld.idx.msk [tilespmem:v8+s28+$0x0], $0xffff;
	_ =	sdelay $0x4  }
0xe4: {  	[tilespmem:v59+s26+$0x0] =	vst.idx.msk $0xffff, v8  }
0xe5: {  	v8 =	vld [tilespmem:s2+$0xFFFFFFF0];
	_ =	sdelay $0x4  }
0xe6: {  	vm11 =	vgt.s32 v8, $0x0  }
0xe7: {  	v8 =	vnsel vm11, $0x0, v8  }
0xe8: {  	v8 =	vmin.u32 v8, $0xFFF;
	_ =	sdelay $0x4  }
0xe9: {  	v60 =	vor.u32 v3, v9;
	v8 =	vld.idx.msk [tilespmem:v8+s28+$0x0], $0xffff;
	_ =	sdelay $0x4  }
0xea: {  	[tilespmem:v60+s26+$0x0] =	vst.idx.msk $0xffff, v8  }
0xeb: {  	v8 =	vld [tilespmem:s2+$0x0];
	_ =	sdelay $0x4  }
0xec: {  	vm12 =	vgt.s32 v8, $0x0  }
0xed: {  	v8 =	vnsel vm12, $0x0, v8  }
0xee: {  	v8 =	vmin.u32 v8, $0xFFF;
	_ =	sdelay $0x4  }
0xef: {  	v61 =	vor.u32 v4, v9;
	v8 =	vld.idx.msk [tilespmem:v8+s28+$0x0], $0xffff;
	_ =	sdelay $0x4  }
0xf0: {  	[tilespmem:v61+s26+$0x0] =	vst.idx.msk $0xffff, v8  }
0xf1: {  	v8 =	vld [tilespmem:s2+$0x10];
	_ =	sdelay $0x4  }
0xf2: {  	vm13 =	vgt.s32 v8, $0x0  }
0xf3: {  	v8 =	vnsel vm13, $0x0, v8  }
0xf4: {  	v8 =	vmin.u32 v8, $0xFFF;
	_ =	sdelay $0x4  }
0xf5: {  	v62 =	vor.u32 v5, v9;
	v8 =	vld.idx.msk [tilespmem:v8+s28+$0x0], $0xffff;
	_ =	sdelay $0x4  }
0xf6: {  	[tilespmem:v62+s26+$0x0] =	vst.idx.msk $0xffff, v8  }
0xf7: {  	v8 =	vld [tilespmem:s2+$0x20];
	_ =	sdelay $0x4  }
0xf8: {  	vm14 =	vgt.s32 v8, $0x0  }
0xf9: {  	v8 =	vnsel vm14, $0x0, v8  }
0xfa: {  	v8 =	vmin.u32 v8, $0xFFF;
	_ =	sdelay $0x4  }
0xfb: {  	v63 =	vor.u32 v6, v9;
	v8 =	vld.idx.msk [tilespmem:v8+s28+$0x0], $0xffff;
	_ =	sdelay $0x4  }
0xfc: {  	[tilespmem:v63+s26+$0x0] =	vst.idx.msk $0xffff, v8  }
0xfd: {  	v8 =	vld [tilespmem:s2+$0x30];
	_ =	sdelay $0x4  }
0xfe: {  	vm15 =	vgt.s32 v8, $0x0  }
0xff: {  	v8 =	vnsel vm15, $0x0, v8  }
0x100: {  	v8 =	vmin.u32 v8, $0xFFF;
	_ =	sdelay $0x3  }
0x101: {  	s0 =	sadd.s32 $0x4, s0  }
0x102: {  	p0 =	slt.u32 s0, $0xFC;
	v9 =	vor.u32 v7, v9;
	v8 =	vld.idx.msk [tilespmem:v8+s28+$0x0], $0xffff  }
.Ltmp3:
0x103: {  	_ = 	snop;
	(pc) =	sbr.rel @p0 .LBB2_9-.Ltmp3, $2  }
0x104: {  	_ =	sdelay $0x2  }
0x105: {  	s21 =	sadd.s32 $0x80, s21;
	s2 =	sadd.s32 $0x80, s2;
	[tilespmem:v9+s26+$0x0] =	vst.idx.msk $0xffff, v8  }
0x106: {  	s0 =	sadd.s32 s31, s16  }
0x107: {  	s0 =	sshll.u32 s0, $0xF  }
0x108: {  	s31 =	sadd.s32 $0x1, s31;
	s0 =	sor.u32 s8, s0  }
0x109: {  	p0 =	sne.s32 s31, $0x80;
	s0 =	sshrl.u32 s0, $0x3  }
.Ltmp4:
0x10a: {  	s0 =	sadd.s32 s1, s0;
	(pc) =	sbr.rel @p0 .LBB2_8-.Ltmp4, $4  }
0x10b: {  	[hbm4b:s0+s3] =	stream.linear.scatter [tilespmem:s26], [sflag:$0x1], $0x2000, $0x38;
	[tilespmem:$0x8C00] =	vst v63  }
0x10c: {  	_ =	swait.ge [sflag:s19], $0x2000  }
0x10d: {  	[sflag:s19] =	ssyncset.done $0x0  }
0x10e: {  	[sflag:s19] =	ssyncadd.s32 $0xFFFFE000  }
0x10f: {  	s29 =	sadd.s32 $0x1, s29  }
0x110: {  	p0 =	sne.s32 s29, s17  }
.Ltmp5:
0x111: {  	_ = 	snop;
	(pc) =	sbr.rel @p0 .LBB2_1-.Ltmp5, $1  }
0x112: {  	_ =	sdelay $0x3  }
0x113: {  	_ =	sfence.sel $0x180000  }
0x114: {  	[bflag:$0x0] =	sbarrier.arrive $0xFFFF  }
0x115: {  	_ =	strace $0x9000004A  }
0x116: {  	s0 =	stileid.u32;
	[bflag:$0x2] =	sbarrier.arrive $0xFFFF  }
0x117: {  	p0 =	sne.s32 s0, $0x0;
	s0 =	rddreg [dreg:$0x2]  }
0x118: {  	s0 =	sadd.s32 @!p0 $0x100000, s0  }
0x119: {  	[sflag:s0] =	ssyncadd.tile.s32 @!p0 $0x1;
	_ =	shalt  }
.Lfunc_end2:
_tile_overlayer_lowered:
.L_overlay_start_2:
0x11a: {  	(tag) =	ssettag $0x2  }
0x11b: {  	s0 =	rddreg [dreg:$0x0];
	s2 =	stileid.u32  }
0x11c: {  	s1 =	rddreg [dreg:$0x1];
	p0 =	sne.s32 s2, $0x0  }
0x11d: {  	s3 =	rddreg [dreg:$0x2];
	[bflag:$0x3] =	sbarrier.arrive $0xFFFF;
	s2 =	simm.s32 @!p0 $0x1C01  }
0x11e: {  	[timem:s3], [sflag:s2] =	dma.local @!p0 [hbm:s0], s1  }
0x11f: {  	s0 =	simm.s32 @!p0 $0x1  }
0x120: {  	_ =	swait.ge @!p0 [sflag:s0], s1  }
0x121: {  	s1 =	ssub.s32 @!p0 $0x0, s1;
	[sflag:s0] =	ssyncset.done @!p0 $0x0  }
0x122: {  	[sflag:s0] =	ssyncadd.s32 @!p0 s1  }
0x123: {  	[bflag:$0x3] =	sbarrier.arrive $0xFFFF  }
0x124: {  	_ =	shalt  }

// kernel: sparse-core-data-format-call.cloned.1.call-start
scs
called_computation_lowered:
.L_overlay_start_0:
0x0: {  	s2 =	sld [smem:$0x3FD9]  }
0x1: {  	s3 =	sld [smem:$0x3FFE];
	_ =	sdelay $0x1  }
0x2: {  	s1 =	srdreg.scid  }
0x3: {  	s0 =	sand.u32 $0x1, s1  }
0x4: {  	s18 =	sshll.u32 s0, $0xA;
	s2 =	sadd.s32 s3, s2  }
0x5: {  	s2 =	sadd.s32 s2, s18  }
0x6: {  	[smem:$0x3FC5] =	sst s2  }
0x7: {  	_ = 	snop  }
0x8: {  	s2 =	sld [smem:$0x3FD0];
	(tm) =	ssettm $0x1  }
0x9: {  	s19 =	sld [smem:$0x3FFB];
	_ =	sdelay $0x3  }
0xa: {  	_ =	strace s19  }
0xb: {  	s3 =	sld [smem:$0x3FFC];
	_ =	sdelay $0x3  }
0xc: {  	_ =	strace s3  }
0xd: {  	s3 =	sld [smem:$0x3FFD];
	_ =	sdelay $0x3  }
0xe: {  	_ =	strace s3  }
0xf: {  	_ =	strace $0x8FFFFFFF  }
0x10: {  	s20 =	sld [smem:$0x3FDB];
	_ =	sdelay $0x1  }
0x11: {  	s4 =	simm.s32 $_scs_section_size  }
0x12: {  	s5 =	simm.s32 $_size__tile_overlayer_lowered;
	s6 =	simm.s32 $_tile_overlayer_lowered  }
0x13: {  	s23 =	simm.s32 $0x1BFF;
	s22 =	sshll.u32 s6, $0x1;
	s3 =	sadd.s32 s4, s20  }
0x14: {  	s7 =	simm.s32 $0x0;
	s21 =	sshll.u32 s5, $0x1;
	s5 =	sadd.s32 s22, s3  }
0x15: {  	[timem:s7], [sflag:s23] =	dma.local [hbm:s5], s21  }
0x16: {  	_ =	swait.ge [sflag:s23], s21  }
0x17: {  	s4 =	ssub.s32 $0x0, s21;
	[sflag:s23] =	ssyncset.done $0x0  }
0x18: {  	[sflag:s23] =	ssyncadd.s32 s4;
	_ =	sdelay $0x1  }
0x19: {  	s24 =	simm.s32 $0x1B8B  }
0x1a: {  	_ =	swait.ge [sflag:s24], $0x1  }
0x1b: {  	[sflag:s24] =	ssyncset.done $0x0  }
0x1c: {  	s26 =	simm.s32 $0x1B8E;
	s25 =	sld [smem:$0x3FFE];
	[sflag:s24] =	ssyncadd.s32 $0xFFFFFFFF  }
0x1d: {  	s27 =	simm.s32 $execute0_lowered;
	[smem:$0x3FD2] =	sst s26  }
0x1e: {  	s5 =	sshll.u32 s27, $0x1;
	_ =	strace $0x8000004C;
	[dreg:$0x1] =	wrdreg $0xFFFFFFFF  }
0x1f: {  	s28 =	simm.s32 $_size_execute0_lowered;
	s3 =	sadd.s32 s3, s5;
	[dreg:$0x0] =	wrdreg $0x0  }
0x20: {  	s5 =	sshll.u32 s28, $0x1;
	[dreg:$0x2] =	wrdreg s3  }
0x21: {  	[dreg:$0x3] =	wrdreg s5  }
0x22: {  	[dreg:$0x4] =	wrdreg $0xC0  }
0x23: {  	_ =	task [dreg:s7], $0x5FFFF  }
0x24: {  	[dreg:$0x1] =	wrdreg $0xFFFFFFFF  }
0x25: {  	[dreg:$0x0] =	wrdreg $0x60  }
0x26: {  	[dreg:$0x2] =	wrdreg s25  }
0x27: {  	[dreg:$0x3] =	wrdreg s2  }
0x28: {  	[dreg:$0x4] =	wrdreg $0x9  }
0x29: {  	_ =	task.clear_ibuf [dreg:s7], $0x5FFFF;
	_ =	strace $0x9000004C  }
0x2a: {  	s29 =	simm.s32 $0x9;
	_ =	strace $0x8000004E  }
0x2b: {  	_ =	swait.ge [sflag:s29], $0x1  }
0x2c: {  	[sflag:s29] =	ssyncadd.s32 $0xFFFFFFFF  }
0x2d: {  	_ =	strace $0x9000004E  }
0x2e: {  	_ =	sfence  }
0x2f: {  	s30 =	sld [smem:$0x0];
	_ =	sdelay $0x2  }
0x30: {  	s31 =	sshll.u32 s1, $0xD;
	s1 =	sshrl.u32 s1, $0x2  }
0x31: {  	s3 =	sand.u32 $0x4000, s31;
	s1 =	sadd.s32 s1, s30  }
0x32: {  	s0 =	sor.u32 s3, s0;
	s1 =	sshll.u32 s1, $0x11  }
0x33: {  	s0 =	sor.u32 s1, s0  }
0x34: {  	s0 =	sadd.s32 $0x8F2B, s0  }
0x35: {  	[sflag:s0] =	ssyncadd.remote.s32 $0x1  }
0x36: {  	_ =	sfence.sel $0xFFFF  }
0x37: {  	[dreg:$0x0] =	wrdreg $0xFFFFFFFF;
	(pc) =	sbr.abs _section_cstart, $3  }
0x38: {  	[dreg:$0x1] =	wrdreg $0xFFFFFFFF  }
0x39: {  	_ =	task.clear_ibuf [dreg:s7], $0x2FFFF;
	_ =	strace $0x9FFFFFFF  }
0x3a: {  	(tm) =	ssettm $0x7FFFFFFF  }
0x3b: {  	_ =	shalt  }
tec
execute0_lowered:
.L_overlay_start_1:
0x0: {  	(tag) =	ssettag $0x1  }
0x1: {  	s0 =	stileid.u32;
	s1 =	srdreg.scid  }
0x2: {  	s5 =	rddreg [dreg:$0x0];
	s2 =	sshll.u32 s0, $0x4;
	s1 =	sshll.u32 s1, $0x8  }
0x3: {  	s3 =	rddreg [dreg:$0x1];
	s6 =	simm.s32 $0x1;
	s1 =	sor.u32 s2, s1  }
0x4: {  	s8 =	simm.s32 $0x2;
	s14 =	simm.s32 $0x0;
	s2 =	sand.u32 $0x180, s1  }
0x5: {  	s9 =	simm.s32 $0x2000;
	s15 =	simm.s32 $0x0;
	s4 =	ssub.s32 $0x400, s2  }
0x6: {  	s16 =	simm.s32 $0x0;
	s11 =	simm.s32 $0x0;
	s31 =	sand.u32 $0x180, s4  }
0x7: {  	s13 =	simm.s32 $0x0;
	s7 =	sand.u32 $0x7, s0;
	p0 =	sne.s32 s31, $0x0  }
.Ltmp0:
0x8: {  	s4 =	sshrl.u32 s4, $0x9;
	s6 =	simm.s32 @!p0 $0x0;
	(pc) =	sbr.rel .LBB1_1-.Ltmp0, $4  }
0x9: {  	s1 =	rddreg [dreg:$0x2];
	_ =	strace $0x8000004D;
	s6 =	sadd.s32 s6, s4  }
0xa: {  	s4 =	sadd.s32 $0x600, s5;
	s5 =	simm.s32 $0x1;
	s6 =	smul.u32 $0x83, s6  }
0xb: {  	s12 =	smov.u32 s7;
	s10 =	smov.u32 s2;
	[sflag:s5] =	ssyncpa.u1 $0x0  }
0xc: {  	p0 =	por $0x0, $0x0;
	[sflag:s8] =	ssyncpa.u1 $0x0;
	s8 =	sadd.s32 $0x1, s6  }
.LBB1_4:
0xd: {  	s16 =	smul.u32 $0x83000, s16;
	_ =	sdelay $0x1  }
0xe: {  	s19 =	sand.u32 $0xF80, s14;
	s15 =	sshll.u32 s15, $0xC;
	s16 =	sadd.s32 s3, s16  }
0xf: {  	s20 =	sshrl.u32 s14, $0x3;
	s30 =	sand.u32 $0x7, s14;
	s15 =	sadd.s32 s15, s16  }
0x10: {  	s31 =	sand.u32 $0xF, s20;
	s14 =	sshll.u32 s30, $0x12;
	s15 =	sadd.s32 s19, s15  }
0x11: {  	[tilespmem:s18+$0x0 ss:$0x81] =	vst.msk $0xffff, v0;
	s14 =	sor.u32 $0x400, s14;
	s15 =	sadd.s32 s31, s15  }
0x12: {  	[hbm4b:s15+s14] =	stream.strided.scatter [tilespmem:s17], [sflag:$0x2], $0x1000, s9, s14, $0x20;
	[tilespmem:$0x4040] =	vst v63  }
.LBB1_5:
0x13: {  	s17 =	sadd.s32 $0x200, s10  }
0x14: {  	s14 =	simm.s32 $0x1;
	p2 =	sgt.s32 s17, $0x3FF  }
0x15: {  	s14 =	simm.s32 @!p2 $0x0  }
0x16: {  	s18 =	sadd.s32 s14, s11  }
0x17: {  	s20 =	smov.u32 s12;
	s14 =	sadd.s32 $0x8, s12;
	p3 =	sgt.s32 s18, $0x82  }
0x18: {  	s20 =	smov.u32 @p3 s14  }
0x19: {  	p1 =	slt.u32 s13, $0x2;
	s17 =	smov.u32 @p2 s2;
	p2 =	sgt.s32 s20, $0x7  }
0x1a: {  	s19 =	simm.s32 @!p1 $0x2;
	s20 =	smov.u32 @p2 s7;
	p2 =	sne.s32 s13, s8  }
.Ltmp1:
0x1b: {  	_ =	swait.ge @!p1 [sflag:s19], $0x1000;
	(pc) =	sbr.rel @!p2 .LBB1_6-.Ltmp1, $4  }
0x1c: {  	s15 =	smov.u32 s11;
	[sflag:s19] =	ssyncset.done @!p1 $0x0  }
0x1d: {  	s16 =	smov.u32 s12;
	p0 =	por !p0, !p0;
	[sflag:s19] =	ssyncadd.s32 @!p1 $0xFFFFF000  }
0x1e: {  	s18 =	simm.s32 @p3 $0x0;
	s14 =	smov.u32 s10;
	s10 =	smov.u32 s17  }
0x1f: {  	s11 =	smov.u32 s18;
	s13 =	sadd.s32 $0x1, s13;
	s12 =	smov.u32 s20  }
.LBB1_1:
0x20: {  	p1 =	sge.u32 s13, s6  }
0x21: {  	s18 =	smul.u32 @!p1 $0x20C000, s12  }
0x22: {  	s31 =	sadd.s32 $0xFFFFFFFF, s13;
	s17 =	sxor.u32 @!p1 $0xFFFFFFFF, s13;
	s19 =	sshll.u32 @!p1 s11, $0xE  }
0x23: {  	s20 =	sshll.u32 @!p1 s10, $0x4;
	s17 =	sshll.u32 @!p1 s17, $0xC;
	s18 =	sadd.s32 @!p1 s4, s18  }
0x24: {  	s20 =	sand.u32 @!p1 $0x3FF0, s20;
	s17 =	sand.u32 @!p1 $0x1000, s17;
	s18 =	sadd.s32 @!p1 s19, s18  }
0x25: {  	s19 =	simm.s32 @!p1 $0x20;
	s18 =	sadd.s32 @!p1 s20, s18;
	s20 =	simm.s32 @!p1 $0x80  }
0x26: {  	[tilespmem:s17], [sflag:$0x1] =	stream.strided.gather @!p1 [hbm4b:s18+s19], $0x1000, s20, s19, $0x38;
	[tilespmem:$0x4040] =	vst v63  }
0x27: {  	p1 =	sge.u32 s31, s6  }
.Ltmp2:
0x28: {  	_ = 	snop;
	(pc) =	sbr.rel @p1 .LBB1_5-.Ltmp2, $1  }
0x29: {  	_ =	sdelay $0x3  }
0x2a: {  	s17 =	simm.s32 $0x1  }
0x2b: {  	_ =	swait.ge [sflag:s5], $0x1000;
	s17 =	simm.s32 @!p0 $0x0  }
0x2c: {  	[sflag:s5] =	ssyncset.done $0x0;
	s18 =	sshll.u32 s17, $0xC  }
0x2d: {  	[sflag:s5] =	ssyncadd.s32 $0xFFFFF000;
	s21 =	sor.u32 $0x10, s18  }
0x2e: {  	s17 =	smul.u32 $0x4080, s17;
	v1 =	vld [tilespmem:s21+$0x0]  }
0x2f: {  	s30 =	sand.u32 $0x1, s13;
	v0 =	vld [tilespmem:s21+$0xFFFFFFF0]  }
0x30: {  	s18 =	smul.u32 $0x4080, s30;
	s17 =	sshrl.u32 s17, $0x2  }
0x31: {  	s19 =	sor.u32 $0x2000, s17  }
0x32: {  	s31 =	sshrl.u32 s18, $0x2;
	s18 =	sadd.s32 $0x0, s19  }
0x33: {  	s20 =	simm.s32 $0x4;
	s21 =	sadd.s32 $0x20, s21;
	s17 =	sor.u32 $0x2000, s31;
	[tilespmem:s18+$0x810 ss:$0x81] =	vst.msk $0xffff, v1  }
.LBB1_3:
0x34: {  	v1 =	vld [tilespmem:s21+$0x0];
	p1 =	sne.s32 s20, $0x1FC;
	[tilespmem:s18+$0x0 ss:$0x81] =	vst.msk $0xffff, v0;
	s18 =	smov.u32 s20;
	s20 =	sadd.s32 $0x4, s20  }
.Ltmp3:
0x35: {  	v0 =	vld [tilespmem:s21+$0xFFFFFFF0];
	(pc) =	sbr.rel @p1 .LBB1_3-.Ltmp3, $4  }
0x36: {  	_ = 	snop  }
0x37: {  	s18 =	sshra.s32 s18, $0x2  }
0x38: {  	s18 =	sadd.s32 s18, s19  }
0x39: {  	s21 =	sadd.s32 $0x20, s21;
	[tilespmem:s18+$0x810 ss:$0x81] =	vst.msk $0xffff, v1  }
.Ltmp4:
0x3a: {  	_ = 	snop;
	(pc) =	sbr.rel .LBB1_4-.Ltmp4, $1  }
0x3b: {  	_ =	sdelay $0x3  }
.LBB1_6:
0x3c: {  	_ =	sfence.sel $0x180000  }
0x3d: {  	s2 =	simm.s32 $0x1;
	[bflag:$0x0] =	sbarrier.arrive $0xFFFF  }
0x3e: {  	s31 =	simm.s32 $0x2;
	[sflag:s2] =	ssyncpa.u1 $0x1  }
0x3f: {  	[sflag:s31] =	ssyncpa.u1 $0x1  }
0x40: {  	p0 =	sne.s32 s0, $0x0;
	_ =	strace $0x9000004D  }
0x41: {  	s0 =	sadd.s32 @!p0 $0x100000, s1;
	[bflag:$0x2] =	sbarrier.arrive $0xFFFF  }
0x42: {  	[sflag:s0] =	ssyncadd.tile.s32 @!p0 $0x1;
	_ =	shalt  }
.Lfunc_end1:
_tile_overlayer_lowered:
.L_overlay_start_2:
0x43: {  	(tag) =	ssettag $0x2  }
0x44: {  	s0 =	rddreg [dreg:$0x0];
	s2 =	stileid.u32  }
0x45: {  	s1 =	rddreg [dreg:$0x1];
	p0 =	sne.s32 s2, $0x0  }
0x46: {  	s3 =	rddreg [dreg:$0x2];
	[bflag:$0x3] =	sbarrier.arrive $0xFFFF;
	s2 =	simm.s32 @!p0 $0x1C01  }
0x47: {  	[timem:s3], [sflag:s2] =	dma.local @!p0 [hbm:s0], s1  }
0x48: {  	s0 =	simm.s32 @!p0 $0x1  }
0x49: {  	_ =	swait.ge @!p0 [sflag:s0], s1  }
0x4a: {  	s1 =	ssub.s32 @!p0 $0x0, s1;
	[sflag:s0] =	ssyncset.done @!p0 $0x0  }
0x4b: {  	[sflag:s0] =	ssyncadd.s32 @!p0 s1  }
0x4c: {  	[bflag:$0x3] =	sbarrier.arrive $0xFFFF  }
0x4d: {  	_ =	shalt  }

</sc_bundles>
